<compile_context>
chip_gen: v7x
topology: tpu7x:2x2x1
jax: 0.10.2.dev20260603
libtpu: 0.0.44.dev20260713+nightly
codegen_flags: <defaults>
</compile_context>

<pallas_src>
import functools

import jax
import jax.numpy as jnp
from jax import lax
from jax.experimental import pallas as pl
from jax.experimental.pallas import tpu as pltpu
from jax.experimental.pallas import tpu_sc as plsc

N = 100000
HALF = 49920
NW = 32
RPW = 1560
CH = 120
NCH = 13
TAIL = 49920

_mesh = plsc.VectorSubcoreMesh(core_axis_name="c", subcore_axis_name="s")


@functools.partial(
    pl.kernel,
    mesh=_mesh,
    out_type=jax.ShapeDtypeStruct((HALF, 208), jnp.float32),
    scratch_types=[
        pltpu.VMEM((CH, 208), jnp.float32),
        pltpu.VMEM((CH, 208), jnp.float32),
        pltpu.SemaphoreType.DMA,
        pltpu.SemaphoreType.DMA,
        pltpu.SemaphoreType.DMA,
        pltpu.SemaphoreType.DMA,
    ],
)
def _sc_copy(x_hbm, out_hbm, buf0, buf1, si0, si1, so0, so1):
    wid = lax.axis_index("s") * 2 + lax.axis_index("c")
    base = wid * RPW
    bufs = (buf0, buf1)
    isems = (si0, si1)
    osems = (so0, so1)
    pltpu.make_async_copy(x_hbm.at[pl.ds(base, CH)], bufs[0], isems[0]).start()
    for i in range(NCH):
        b = i % 2
        nb = (i + 1) % 2
        pltpu.make_async_copy(x_hbm.at[pl.ds(base + i * CH, CH)], bufs[b], isems[b]).wait()
        if i + 1 < NCH:
            if i >= 1:
                pltpu.make_async_copy(
                    bufs[nb], out_hbm.at[pl.ds(base + (i - 1) * CH, CH)], osems[nb]
                ).wait()
            pltpu.make_async_copy(
                x_hbm.at[pl.ds(base + (i + 1) * CH, CH)], bufs[nb], isems[nb]
            ).start()
        pltpu.make_async_copy(bufs[b], out_hbm.at[pl.ds(base + i * CH, CH)], osems[b]).start()
    pltpu.make_async_copy(
        bufs[(NCH - 1) % 2], out_hbm.at[pl.ds(base + (NCH - 1) * CH, CH)], osems[(NCH - 1) % 2]
    ).wait()
    pltpu.make_async_copy(
        bufs[(NCH - 2) % 2], out_hbm.at[pl.ds(base + (NCH - 2) * CH, CH)], osems[(NCH - 2) % 2]
    ).wait()


def _tc_copy(x_ref, o_ref):
    o_ref[...] = x_ref[...] * 1.0000001


def kernel(input, batch, weight, bias):
    lo = _sc_copy(input)
    hi = pl.pallas_call(
        _tc_copy,
        grid=(8,),
        in_specs=[pl.BlockSpec((6240, 208), lambda b: (b + 8, 0))],
        out_specs=pl.BlockSpec((6240, 208), lambda b: (b, 0)),
        out_shape=jax.ShapeDtypeStruct((49920, 208), jnp.float32),
    )(input)
    return (lo, hi)

# --- scband reference (transcript-rebuilt; emitter-appended) ---
"""Pipeline reference for scband-instance-norm-25340307046985 (READ-ONLY COPY).

The authoritative reference and input builder live on the scoring server;
editing this copy changes nothing except your own understanding.
"""

import jax, jax.numpy as jnp
import numpy as np

N = 100000
G = 512
IRREPS = [(32, 0), (32, 1), (16, 2)]  # (mul, l); dim per irrep = 2l+1 -> total 208
EPS = 1e-05


def segment_mean(data, seg, num_segments):
    s = jax.ops.segment_sum(data, seg, num_segments=num_segments)
    cnt = jax.ops.segment_sum(jnp.ones((data.shape[0],), dtype=data.dtype), seg, num_segments=num_segments)
    cnt = jnp.maximum(cnt, 1.0)
    return s / cnt.reshape((-1,) + (1,) * (data.ndim - 1))


def setup_inputs(seed: int = 0) -> dict:
    key = jax.random.key(seed)
    k1, k2 = jax.random.split(key)
    dim = sum(mul * (2 * l + 1) for mul, l in IRREPS)
    inp = jax.random.normal(k1, (N, dim), dtype=jnp.float32)
    batch = jnp.sort(jax.random.randint(k2, (N,), 0, G).astype(jnp.int64))
    num_features = sum(mul for mul, l in IRREPS)  # 80
    num_scalar = sum(mul for mul, l in IRREPS if l == 0)  # 32
    weight = jnp.ones((num_features,), dtype=jnp.float32)
    bias = jnp.zeros((num_scalar,), dtype=jnp.float32)
    return {"input": inp, "batch": batch, "weight": weight, "bias": bias}


def reference(input, batch, weight, bias):
    fields = []
    ix = 0
    iw = 0
    ib = 0
    for mul, l in IRREPS:
        d = 2 * l + 1
        field = input[:, ix:ix + mul * d]
        ix += mul * d
        field = field.reshape(-1, mul, d)
        if l == 0:
            # mean-center scalar channels per graph
            fm = segment_mean(field[:, :, 0], batch, G)  # (G, mul)
            field = field - fm[batch][:, :, None]
        # normalization == 'component'
        field_norm = jnp.mean(field ** 2, axis=-1)  # (N, mul)
        # reduce == 'mean'
        field_norm = segment_mean(field_norm, batch, G)  # (G, mul)
        field_norm = (field_norm + EPS) ** -0.5
        # affine scale
        w = weight[None, iw:iw + mul]
        iw += mul
        field_norm = field_norm * w
        field = field * field_norm[batch].reshape(-1, mul, 1)
        if d == 1:
            b = bias[ib:ib + mul]
            ib += mul
            field = field + b.reshape(mul, 1)
        fields.append(field.reshape(-1, mul * d))
    output = jnp.concatenate(fields, axis=-1)
    return output

if __name__ == "__main__":
    import jax
    _d = setup_inputs()
    print(jax.jit(kernel)(*tuple(_d.values())))

</pallas_src>

<mosaic_0001>
#map = affine_map<(d0, d1) -> (0, 0)>
module attributes {stable_mosaic.version = 14 : i64} {
  func.func @_sc_copy(%arg0: i32, %arg1: i32, %arg2: memref<100000x208xf32, #tpu.memory_space<hbm>>, %arg3: memref<49920x208xf32, #tpu.memory_space<hbm>>, %arg4: memref<120x208xf32, #tpu.memory_space<vmem>>, %arg5: memref<120x208xf32, #tpu.memory_space<vmem>>, %arg6: memref<!tpu.dma_semaphore, #tpu.memory_space<semaphore_mem>>, %arg7: memref<!tpu.dma_semaphore, #tpu.memory_space<semaphore_mem>>, %arg8: memref<!tpu.dma_semaphore, #tpu.memory_space<semaphore_mem>>, %arg9: memref<!tpu.dma_semaphore, #tpu.memory_space<semaphore_mem>>) attributes {dimension_semantics = [#tpu.dimension_semantics<core_parallel>, #tpu.dimension_semantics<subcore_parallel>], iteration_bounds = array<i64: 2, 16>, scalar_prefetch = 0 : i64, scratch_operands = 6 : i64, tpu.core_type = #tpu.core_type<sc_vector_subcore>, window_params = [{transform_indices = #map}, {transform_indices = #map}]} {
    %mul3A = arith.constant 2 : i32
    %mul3A_0 = arith.muli %arg1, %mul3A : i32
    %add3A = arith.addi %mul3A_0, %arg0 : i32
    %mul3A_1 = arith.constant 1560 : i32
    %mul3A_2 = arith.muli %add3A, %mul3A_1 : i32
    %dma_start3A = arith.constant 0 : i32
    %dma_start3A_3 = tpu.memref_slice %arg2[%mul3A_2, %dma_start3A] : memref<100000x208xf32, #tpu.memory_space<hbm>> -> memref<120x208xf32, #tpu.memory_space<hbm>>
    %dma_start3A_4 = arith.constant 0 : i32
    %dma_start3A_5 = tpu.memref_slice %arg2[%mul3A_2, %dma_start3A_4] : memref<100000x208xf32, #tpu.memory_space<hbm>> -> memref<120x208xf32, #tpu.memory_space<hbm>>
    tpu.enqueue_dma source(%dma_start3A_5 : memref<120x208xf32, #tpu.memory_space<hbm>>) target(%arg4 : memref<120x208xf32, #tpu.memory_space<vmem>>) target_semaphore(%arg6 : memref<!tpu.dma_semaphore, #tpu.memory_space<semaphore_mem>>)
    %add3A_6 = arith.constant 0 : i32
    %add3A_7 = arith.addi %mul3A_2, %add3A_6 : i32
    %dma_wait3A = arith.constant 0 : i32
    %dma_wait3A_8 = tpu.memref_slice %arg2[%add3A_7, %dma_wait3A] : memref<100000x208xf32, #tpu.memory_space<hbm>> -> memref<120x208xf32, #tpu.memory_space<hbm>>
    %dma_wait3A_9 = arith.constant 0 : i32
    %dma_wait3A_10 = tpu.memref_slice %arg2[%add3A_7, %dma_wait3A_9] : memref<100000x208xf32, #tpu.memory_space<hbm>> -> memref<120x208xf32, #tpu.memory_space<hbm>>
    tpu.wait_dma2 semaphore(%arg6 : memref<!tpu.dma_semaphore, #tpu.memory_space<semaphore_mem>>) src(%dma_wait3A_10 : memref<120x208xf32, #tpu.memory_space<hbm>>) dst(%arg4 : memref<120x208xf32, #tpu.memory_space<vmem>>)
    %add3A_11 = arith.constant 120 : i32
    %add3A_12 = arith.addi %mul3A_2, %add3A_11 : i32
    %dma_start3A_13 = arith.constant 0 : i32
    %dma_start3A_14 = tpu.memref_slice %arg2[%add3A_12, %dma_start3A_13] : memref<100000x208xf32, #tpu.memory_space<hbm>> -> memref<120x208xf32, #tpu.memory_space<hbm>>
    %dma_start3A_15 = arith.constant 0 : i32
    %dma_start3A_16 = tpu.memref_slice %arg2[%add3A_12, %dma_start3A_15] : memref<100000x208xf32, #tpu.memory_space<hbm>> -> memref<120x208xf32, #tpu.memory_space<hbm>>
    tpu.enqueue_dma source(%dma_start3A_16 : memref<120x208xf32, #tpu.memory_space<hbm>>) target(%arg5 : memref<120x208xf32, #tpu.memory_space<vmem>>) target_semaphore(%arg7 : memref<!tpu.dma_semaphore, #tpu.memory_space<semaphore_mem>>)
    %add3A_17 = arith.constant 0 : i32
    %add3A_18 = arith.addi %mul3A_2, %add3A_17 : i32
    %dma_start3A_19 = arith.constant 0 : i32
    %dma_start3A_20 = tpu.memref_slice %arg3[%add3A_18, %dma_start3A_19] : memref<49920x208xf32, #tpu.memory_space<hbm>> -> memref<120x208xf32, #tpu.memory_space<hbm>>
    %dma_start3A_21 = arith.constant 0 : i32
    %dma_start3A_22 = tpu.memref_slice %arg3[%add3A_18, %dma_start3A_21] : memref<49920x208xf32, #tpu.memory_space<hbm>> -> memref<120x208xf32, #tpu.memory_space<hbm>>
    tpu.enqueue_dma source(%arg4 : memref<120x208xf32, #tpu.memory_space<vmem>>) target(%dma_start3A_22 : memref<120x208xf32, #tpu.memory_space<hbm>>) target_semaphore(%arg8 : memref<!tpu.dma_semaphore, #tpu.memory_space<semaphore_mem>>)
    %add3A_23 = arith.constant 120 : i32
    %add3A_24 = arith.addi %mul3A_2, %add3A_23 : i32
    %dma_wait3A_25 = arith.constant 0 : i32
    %dma_wait3A_26 = tpu.memref_slice %arg2[%add3A_24, %dma_wait3A_25] : memref<100000x208xf32, #tpu.memory_space<hbm>> -> memref<120x208xf32, #tpu.memory_space<hbm>>
    %dma_wait3A_27 = arith.constant 0 : i32
    %dma_wait3A_28 = tpu.memref_slice %arg2[%add3A_24, %dma_wait3A_27] : memref<100000x208xf32, #tpu.memory_space<hbm>> -> memref<120x208xf32, #tpu.memory_space<hbm>>
    tpu.wait_dma2 semaphore(%arg7 : memref<!tpu.dma_semaphore, #tpu.memory_space<semaphore_mem>>) src(%dma_wait3A_28 : memref<120x208xf32, #tpu.memory_space<hbm>>) dst(%arg5 : memref<120x208xf32, #tpu.memory_space<vmem>>)
    %add3A_29 = arith.constant 0 : i32
    %add3A_30 = arith.addi %mul3A_2, %add3A_29 : i32
    %dma_wait3A_31 = arith.constant 0 : i32
    %dma_wait3A_32 = tpu.memref_slice %arg3[%add3A_30, %dma_wait3A_31] : memref<49920x208xf32, #tpu.memory_space<hbm>> -> memref<120x208xf32, #tpu.memory_space<hbm>>
    %dma_wait3A_33 = arith.constant 0 : i32
    %dma_wait3A_34 = tpu.memref_slice %arg3[%add3A_30, %dma_wait3A_33] : memref<49920x208xf32, #tpu.memory_space<hbm>> -> memref<120x208xf32, #tpu.memory_space<hbm>>
    tpu.wait_dma2 semaphore(%arg8 : memref<!tpu.dma_semaphore, #tpu.memory_space<semaphore_mem>>) src(%arg4 : memref<120x208xf32, #tpu.memory_space<vmem>>) dst(%dma_wait3A_34 : memref<120x208xf32, #tpu.memory_space<hbm>>)
    %add3A_35 = arith.constant 240 : i32
    %add3A_36 = arith.addi %mul3A_2, %add3A_35 : i32
    %dma_start3A_37 = arith.constant 0 : i32
    %dma_start3A_38 = tpu.memref_slice %arg2[%add3A_36, %dma_start3A_37] : memref<100000x208xf32, #tpu.memory_space<hbm>> -> memref<120x208xf32, #tpu.memory_space<hbm>>
    %dma_start3A_39 = arith.constant 0 : i32
    %dma_start3A_40 = tpu.memref_slice %arg2[%add3A_36, %dma_start3A_39] : memref<100000x208xf32, #tpu.memory_space<hbm>> -> memref<120x208xf32, #tpu.memory_space<hbm>>
    tpu.enqueue_dma source(%dma_start3A_40 : memref<120x208xf32, #tpu.memory_space<hbm>>) target(%arg4 : memref<120x208xf32, #tpu.memory_space<vmem>>) target_semaphore(%arg6 : memref<!tpu.dma_semaphore, #tpu.memory_space<semaphore_mem>>)
    %add3A_41 = arith.constant 120 : i32
    %add3A_42 = arith.addi %mul3A_2, %add3A_41 : i32
    %dma_start3A_43 = arith.constant 0 : i32
    %dma_start3A_44 = tpu.memref_slice %arg3[%add3A_42, %dma_start3A_43] : memref<49920x208xf32, #tpu.memory_space<hbm>> -> memref<120x208xf32, #tpu.memory_space<hbm>>
    %dma_start3A_45 = arith.constant 0 : i32
    %dma_start3A_46 = tpu.memref_slice %arg3[%add3A_42, %dma_start3A_45] : memref<49920x208xf32, #tpu.memory_space<hbm>> -> memref<120x208xf32, #tpu.memory_space<hbm>>
    tpu.enqueue_dma source(%arg5 : memref<120x208xf32, #tpu.memory_space<vmem>>) target(%dma_start3A_46 : memref<120x208xf32, #tpu.memory_space<hbm>>) target_semaphore(%arg9 : memref<!tpu.dma_semaphore, #tpu.memory_space<semaphore_mem>>)
    %add3A_47 = arith.constant 240 : i32
    %add3A_48 = arith.addi %mul3A_2, %add3A_47 : i32
    %dma_wait3A_49 = arith.constant 0 : i32
    %dma_wait3A_50 = tpu.memref_slice %arg2[%add3A_48, %dma_wait3A_49] : memref<100000x208xf32, #tpu.memory_space<hbm>> -> memref<120x208xf32, #tpu.memory_space<hbm>>
    %dma_wait3A_51 = arith.constant 0 : i32
    %dma_wait3A_52 = tpu.memref_slice %arg2[%add3A_48, %dma_wait3A_51] : memref<100000x208xf32, #tpu.memory_space<hbm>> -> memref<120x208xf32, #tpu.memory_space<hbm>>
    tpu.wait_dma2 semaphore(%arg6 : memref<!tpu.dma_semaphore, #tpu.memory_space<semaphore_mem>>) src(%dma_wait3A_52 : memref<120x208xf32, #tpu.memory_space<hbm>>) dst(%arg4 : memref<120x208xf32, #tpu.memory_space<vmem>>)
    %add3A_53 = arith.constant 120 : i32
    %add3A_54 = arith.addi %mul3A_2, %add3A_53 : i32
    %dma_wait3A_55 = arith.constant 0 : i32
    %dma_wait3A_56 = tpu.memref_slice %arg3[%add3A_54, %dma_wait3A_55] : memref<49920x208xf32, #tpu.memory_space<hbm>> -> memref<120x208xf32, #tpu.memory_space<hbm>>
    %dma_wait3A_57 = arith.constant 0 : i32
    %dma_wait3A_58 = tpu.memref_slice %arg3[%add3A_54, %dma_wait3A_57] : memref<49920x208xf32, #tpu.memory_space<hbm>> -> memref<120x208xf32, #tpu.memory_space<hbm>>
    tpu.wait_dma2 semaphore(%arg9 : memref<!tpu.dma_semaphore, #tpu.memory_space<semaphore_mem>>) src(%arg5 : memref<120x208xf32, #tpu.memory_space<vmem>>) dst(%dma_wait3A_58 : memref<120x208xf32, #tpu.memory_space<hbm>>)
    %add3A_59 = arith.constant 360 : i32
    %add3A_60 = arith.addi %mul3A_2, %add3A_59 : i32
    %dma_start3A_61 = arith.constant 0 : i32
    %dma_start3A_62 = tpu.memref_slice %arg2[%add3A_60, %dma_start3A_61] : memref<100000x208xf32, #tpu.memory_space<hbm>> -> memref<120x208xf32, #tpu.memory_space<hbm>>
    %dma_start3A_63 = arith.constant 0 : i32
    %dma_start3A_64 = tpu.memref_slice %arg2[%add3A_60, %dma_start3A_63] : memref<100000x208xf32, #tpu.memory_space<hbm>> -> memref<120x208xf32, #tpu.memory_space<hbm>>
    tpu.enqueue_dma source(%dma_start3A_64 : memref<120x208xf32, #tpu.memory_space<hbm>>) target(%arg5 : memref<120x208xf32, #tpu.memory_space<vmem>>) target_semaphore(%arg7 : memref<!tpu.dma_semaphore, #tpu.memory_space<semaphore_mem>>)
    %add3A_65 = arith.constant 240 : i32
    %add3A_66 = arith.addi %mul3A_2, %add3A_65 : i32
    %dma_start3A_67 = arith.constant 0 : i32
    %dma_start3A_68 = tpu.memref_slice %arg3[%add3A_66, %dma_start3A_67] : memref<49920x208xf32, #tpu.memory_space<hbm>> -> memref<120x208xf32, #tpu.memory_space<hbm>>
    %dma_start3A_69 = arith.constant 0 : i32
    %dma_start3A_70 = tpu.memref_slice %arg3[%add3A_66, %dma_start3A_69] : memref<49920x208xf32, #tpu.memory_space<hbm>> -> memref<120x208xf32, #tpu.memory_space<hbm>>
    tpu.enqueue_dma source(%arg4 : memref<120x208xf32, #tpu.memory_space<vmem>>) target(%dma_start3A_70 : memref<120x208xf32, #tpu.memory_space<hbm>>) target_semaphore(%arg8 : memref<!tpu.dma_semaphore, #tpu.memory_space<semaphore_mem>>)
    %add3A_71 = arith.constant 360 : i32
    %add3A_72 = arith.addi %mul3A_2, %add3A_71 : i32
    %dma_wait3A_73 = arith.constant 0 : i32
    %dma_wait3A_74 = tpu.memref_slice %arg2[%add3A_72, %dma_wait3A_73] : memref<100000x208xf32, #tpu.memory_space<hbm>> -> memref<120x208xf32, #tpu.memory_space<hbm>>
    %dma_wait3A_75 = arith.constant 0 : i32
    %dma_wait3A_76 = tpu.memref_slice %arg2[%add3A_72, %dma_wait3A_75] : memref<100000x208xf32, #tpu.memory_space<hbm>> -> memref<120x208xf32, #tpu.memory_space<hbm>>
    tpu.wait_dma2 semaphore(%arg7 : memref<!tpu.dma_semaphore, #tpu.memory_space<semaphore_mem>>) src(%dma_wait3A_76 : memref<120x208xf32, #tpu.memory_space<hbm>>) dst(%arg5 : memref<120x208xf32, #tpu.memory_space<vmem>>)
    %add3A_77 = arith.constant 240 : i32
    %add3A_78 = arith.addi %mul3A_2, %add3A_77 : i32
    %dma_wait3A_79 = arith.constant 0 : i32
    %dma_wait3A_80 = tpu.memref_slice %arg3[%add3A_78, %dma_wait3A_79] : memref<49920x208xf32, #tpu.memory_space<hbm>> -> memref<120x208xf32, #tpu.memory_space<hbm>>
    %dma_wait3A_81 = arith.constant 0 : i32
    %dma_wait3A_82 = tpu.memref_slice %arg3[%add3A_78, %dma_wait3A_81] : memref<49920x208xf32, #tpu.memory_space<hbm>> -> memref<120x208xf32, #tpu.memory_space<hbm>>
    tpu.wait_dma2 semaphore(%arg8 : memref<!tpu.dma_semaphore, #tpu.memory_space<semaphore_mem>>) src(%arg4 : memref<120x208xf32, #tpu.memory_space<vmem>>) dst(%dma_wait3A_82 : memref<120x208xf32, #tpu.memory_space<hbm>>)
    %add3A_83 = arith.constant 480 : i32
    %add3A_84 = arith.addi %mul3A_2, %add3A_83 : i32
    %dma_start3A_85 = arith.constant 0 : i32
    %dma_start3A_86 = tpu.memref_slice %arg2[%add3A_84, %dma_start3A_85] : memref<100000x208xf32, #tpu.memory_space<hbm>> -> memref<120x208xf32, #tpu.memory_space<hbm>>
    %dma_start3A_87 = arith.constant 0 : i32
    %dma_start3A_88 = tpu.memref_slice %arg2[%add3A_84, %dma_start3A_87] : memref<100000x208xf32, #tpu.memory_space<hbm>> -> memref<120x208xf32, #tpu.memory_space<hbm>>
    tpu.enqueue_dma source(%dma_start3A_88 : memref<120x208xf32, #tpu.memory_space<hbm>>) target(%arg4 : memref<120x208xf32, #tpu.memory_space<vmem>>) target_semaphore(%arg6 : memref<!tpu.dma_semaphore, #tpu.memory_space<semaphore_mem>>)
    %add3A_89 = arith.constant 360 : i32
    %add3A_90 = arith.addi %mul3A_2, %add3A_89 : i32
    %dma_start3A_91 = arith.constant 0 : i32
    %dma_start3A_92 = tpu.memref_slice %arg3[%add3A_90, %dma_start3A_91] : memref<49920x208xf32, #tpu.memory_space<hbm>> -> memref<120x208xf32, #tpu.memory_space<hbm>>
    %dma_start3A_93 = arith.constant 0 : i32
    %dma_start3A_94 = tpu.memref_slice %arg3[%add3A_90, %dma_start3A_93] : memref<49920x208xf32, #tpu.memory_space<hbm>> -> memref<120x208xf32, #tpu.memory_space<hbm>>
    tpu.enqueue_dma source(%arg5 : memref<120x208xf32, #tpu.memory_space<vmem>>) target(%dma_start3A_94 : memref<120x208xf32, #tpu.memory_space<hbm>>) target_semaphore(%arg9 : memref<!tpu.dma_semaphore, #tpu.memory_space<semaphore_mem>>)
    %add3A_95 = arith.constant 480 : i32
    %add3A_96 = arith.addi %mul3A_2, %add3A_95 : i32
    %dma_wait3A_97 = arith.constant 0 : i32
    %dma_wait3A_98 = tpu.memref_slice %arg2[%add3A_96, %dma_wait3A_97] : memref<100000x208xf32, #tpu.memory_space<hbm>> -> memref<120x208xf32, #tpu.memory_space<hbm>>
    %dma_wait3A_99 = arith.constant 0 : i32
    %dma_wait3A_100 = tpu.memref_slice %arg2[%add3A_96, %dma_wait3A_99] : memref<100000x208xf32, #tpu.memory_space<hbm>> -> memref<120x208xf32, #tpu.memory_space<hbm>>
    tpu.wait_dma2 semaphore(%arg6 : memref<!tpu.dma_semaphore, #tpu.memory_space<semaphore_mem>>) src(%dma_wait3A_100 : memref<120x208xf32, #tpu.memory_space<hbm>>) dst(%arg4 : memref<120x208xf32, #tpu.memory_space<vmem>>)
    %add3A_101 = arith.constant 360 : i32
    %add3A_102 = arith.addi %mul3A_2, %add3A_101 : i32
    %dma_wait3A_103 = arith.constant 0 : i32
    %dma_wait3A_104 = tpu.memref_slice %arg3[%add3A_102, %dma_wait3A_103] : memref<49920x208xf32, #tpu.memory_space<hbm>> -> memref<120x208xf32, #tpu.memory_space<hbm>>
    %dma_wait3A_105 = arith.constant 0 : i32
    %dma_wait3A_106 = tpu.memref_slice %arg3[%add3A_102, %dma_wait3A_105] : memref<49920x208xf32, #tpu.memory_space<hbm>> -> memref<120x208xf32, #tpu.memory_space<hbm>>
    tpu.wait_dma2 semaphore(%arg9 : memref<!tpu.dma_semaphore, #tpu.memory_space<semaphore_mem>>) src(%arg5 : memref<120x208xf32, #tpu.memory_space<vmem>>) dst(%dma_wait3A_106 : memref<120x208xf32, #tpu.memory_space<hbm>>)
    %add3A_107 = arith.constant 600 : i32
    %add3A_108 = arith.addi %mul3A_2, %add3A_107 : i32
    %dma_start3A_109 = arith.constant 0 : i32
    %dma_start3A_110 = tpu.memref_slice %arg2[%add3A_108, %dma_start3A_109] : memref<100000x208xf32, #tpu.memory_space<hbm>> -> memref<120x208xf32, #tpu.memory_space<hbm>>
    %dma_start3A_111 = arith.constant 0 : i32
    %dma_start3A_112 = tpu.memref_slice %arg2[%add3A_108, %dma_start3A_111] : memref<100000x208xf32, #tpu.memory_space<hbm>> -> memref<120x208xf32, #tpu.memory_space<hbm>>
    tpu.enqueue_dma source(%dma_start3A_112 : memref<120x208xf32, #tpu.memory_space<hbm>>) target(%arg5 : memref<120x208xf32, #tpu.memory_space<vmem>>) target_semaphore(%arg7 : memref<!tpu.dma_semaphore, #tpu.memory_space<semaphore_mem>>)
    %add3A_113 = arith.constant 480 : i32
    %add3A_114 = arith.addi %mul3A_2, %add3A_113 : i32
    %dma_start3A_115 = arith.constant 0 : i32
    %dma_start3A_116 = tpu.memref_slice %arg3[%add3A_114, %dma_start3A_115] : memref<49920x208xf32, #tpu.memory_space<hbm>> -> memref<120x208xf32, #tpu.memory_space<hbm>>
    %dma_start3A_117 = arith.constant 0 : i32
    %dma_start3A_118 = tpu.memref_slice %arg3[%add3A_114, %dma_start3A_117] : memref<49920x208xf32, #tpu.memory_space<hbm>> -> memref<120x208xf32, #tpu.memory_space<hbm>>
    tpu.enqueue_dma source(%arg4 : memref<120x208xf32, #tpu.memory_space<vmem>>) target(%dma_start3A_118 : memref<120x208xf32, #tpu.memory_space<hbm>>) target_semaphore(%arg8 : memref<!tpu.dma_semaphore, #tpu.memory_space<semaphore_mem>>)
    %add3A_119 = arith.constant 600 : i32
    %add3A_120 = arith.addi %mul3A_2, %add3A_119 : i32
    %dma_wait3A_121 = arith.constant 0 : i32
    %dma_wait3A_122 = tpu.memref_slice %arg2[%add3A_120, %dma_wait3A_121] : memref<100000x208xf32, #tpu.memory_space<hbm>> -> memref<120x208xf32, #tpu.memory_space<hbm>>
    %dma_wait3A_123 = arith.constant 0 : i32
    %dma_wait3A_124 = tpu.memref_slice %arg2[%add3A_120, %dma_wait3A_123] : memref<100000x208xf32, #tpu.memory_space<hbm>> -> memref<120x208xf32, #tpu.memory_space<hbm>>
    tpu.wait_dma2 semaphore(%arg7 : memref<!tpu.dma_semaphore, #tpu.memory_space<semaphore_mem>>) src(%dma_wait3A_124 : memref<120x208xf32, #tpu.memory_space<hbm>>) dst(%arg5 : memref<120x208xf32, #tpu.memory_space<vmem>>)
    %add3A_125 = arith.constant 480 : i32
    %add3A_126 = arith.addi %mul3A_2, %add3A_125 : i32
    %dma_wait3A_127 = arith.constant 0 : i32
    %dma_wait3A_128 = tpu.memref_slice %arg3[%add3A_126, %dma_wait3A_127] : memref<49920x208xf32, #tpu.memory_space<hbm>> -> memref<120x208xf32, #tpu.memory_space<hbm>>
    %dma_wait3A_129 = arith.constant 0 : i32
    %dma_wait3A_130 = tpu.memref_slice %arg3[%add3A_126, %dma_wait3A_129] : memref<49920x208xf32, #tpu.memory_space<hbm>> -> memref<120x208xf32, #tpu.memory_space<hbm>>
    tpu.wait_dma2 semaphore(%arg8 : memref<!tpu.dma_semaphore, #tpu.memory_space<semaphore_mem>>) src(%arg4 : memref<120x208xf32, #tpu.memory_space<vmem>>) dst(%dma_wait3A_130 : memref<120x208xf32, #tpu.memory_space<hbm>>)
    %add3A_131 = arith.constant 720 : i32
    %add3A_132 = arith.addi %mul3A_2, %add3A_131 : i32
    %dma_start3A_133 = arith.constant 0 : i32
    %dma_start3A_134 = tpu.memref_slice %arg2[%add3A_132, %dma_start3A_133] : memref<100000x208xf32, #tpu.memory_space<hbm>> -> memref<120x208xf32, #tpu.memory_space<hbm>>
    %dma_start3A_135 = arith.constant 0 : i32
    %dma_start3A_136 = tpu.memref_slice %arg2[%add3A_132, %dma_start3A_135] : memref<100000x208xf32, #tpu.memory_space<hbm>> -> memref<120x208xf32, #tpu.memory_space<hbm>>
    tpu.enqueue_dma source(%dma_start3A_136 : memref<120x208xf32, #tpu.memory_space<hbm>>) target(%arg4 : memref<120x208xf32, #tpu.memory_space<vmem>>) target_semaphore(%arg6 : memref<!tpu.dma_semaphore, #tpu.memory_space<semaphore_mem>>)
    %add3A_137 = arith.constant 600 : i32
    %add3A_138 = arith.addi %mul3A_2, %add3A_137 : i32
    %dma_start3A_139 = arith.constant 0 : i32
    %dma_start3A_140 = tpu.memref_slice %arg3[%add3A_138, %dma_start3A_139] : memref<49920x208xf32, #tpu.memory_space<hbm>> -> memref<120x208xf32, #tpu.memory_space<hbm>>
    %dma_start3A_141 = arith.constant 0 : i32
    %dma_start3A_142 = tpu.memref_slice %arg3[%add3A_138, %dma_start3A_141] : memref<49920x208xf32, #tpu.memory_space<hbm>> -> memref<120x208xf32, #tpu.memory_space<hbm>>
    tpu.enqueue_dma source(%arg5 : memref<120x208xf32, #tpu.memory_space<vmem>>) target(%dma_start3A_142 : memref<120x208xf32, #tpu.memory_space<hbm>>) target_semaphore(%arg9 : memref<!tpu.dma_semaphore, #tpu.memory_space<semaphore_mem>>)
    %add3A_143 = arith.constant 720 : i32
    %add3A_144 = arith.addi %mul3A_2, %add3A_143 : i32
    %dma_wait3A_145 = arith.constant 0 : i32
    %dma_wait3A_146 = tpu.memref_slice %arg2[%add3A_144, %dma_wait3A_145] : memref<100000x208xf32, #tpu.memory_space<hbm>> -> memref<120x208xf32, #tpu.memory_space<hbm>>
    %dma_wait3A_147 = arith.constant 0 : i32
    %dma_wait3A_148 = tpu.memref_slice %arg2[%add3A_144, %dma_wait3A_147] : memref<100000x208xf32, #tpu.memory_space<hbm>> -> memref<120x208xf32, #tpu.memory_space<hbm>>
    tpu.wait_dma2 semaphore(%arg6 : memref<!tpu.dma_semaphore, #tpu.memory_space<semaphore_mem>>) src(%dma_wait3A_148 : memref<120x208xf32, #tpu.memory_space<hbm>>) dst(%arg4 : memref<120x208xf32, #tpu.memory_space<vmem>>)
    %add3A_149 = arith.constant 600 : i32
    %add3A_150 = arith.addi %mul3A_2, %add3A_149 : i32
    %dma_wait3A_151 = arith.constant 0 : i32
    %dma_wait3A_152 = tpu.memref_slice %arg3[%add3A_150, %dma_wait3A_151] : memref<49920x208xf32, #tpu.memory_space<hbm>> -> memref<120x208xf32, #tpu.memory_space<hbm>>
    %dma_wait3A_153 = arith.constant 0 : i32
    %dma_wait3A_154 = tpu.memref_slice %arg3[%add3A_150, %dma_wait3A_153] : memref<49920x208xf32, #tpu.memory_space<hbm>> -> memref<120x208xf32, #tpu.memory_space<hbm>>
    tpu.wait_dma2 semaphore(%arg9 : memref<!tpu.dma_semaphore, #tpu.memory_space<semaphore_mem>>) src(%arg5 : memref<120x208xf32, #tpu.memory_space<vmem>>) dst(%dma_wait3A_154 : memref<120x208xf32, #tpu.memory_space<hbm>>)
    %add3A_155 = arith.constant 840 : i32
    %add3A_156 = arith.addi %mul3A_2, %add3A_155 : i32
    %dma_start3A_157 = arith.constant 0 : i32
    %dma_start3A_158 = tpu.memref_slice %arg2[%add3A_156, %dma_start3A_157] : memref<100000x208xf32, #tpu.memory_space<hbm>> -> memref<120x208xf32, #tpu.memory_space<hbm>>
    %dma_start3A_159 = arith.constant 0 : i32
    %dma_start3A_160 = tpu.memref_slice %arg2[%add3A_156, %dma_start3A_159] : memref<100000x208xf32, #tpu.memory_space<hbm>> -> memref<120x208xf32, #tpu.memory_space<hbm>>
    tpu.enqueue_dma source(%dma_start3A_160 : memref<120x208xf32, #tpu.memory_space<hbm>>) target(%arg5 : memref<120x208xf32, #tpu.memory_space<vmem>>) target_semaphore(%arg7 : memref<!tpu.dma_semaphore, #tpu.memory_space<semaphore_mem>>)
    %add3A_161 = arith.constant 720 : i32
    %add3A_162 = arith.addi %mul3A_2, %add3A_161 : i32
    %dma_start3A_163 = arith.constant 0 : i32
    %dma_start3A_164 = tpu.memref_slice %arg3[%add3A_162, %dma_start3A_163] : memref<49920x208xf32, #tpu.memory_space<hbm>> -> memref<120x208xf32, #tpu.memory_space<hbm>>
    %dma_start3A_165 = arith.constant 0 : i32
    %dma_start3A_166 = tpu.memref_slice %arg3[%add3A_162, %dma_start3A_165] : memref<49920x208xf32, #tpu.memory_space<hbm>> -> memref<120x208xf32, #tpu.memory_space<hbm>>
    tpu.enqueue_dma source(%arg4 : memref<120x208xf32, #tpu.memory_space<vmem>>) target(%dma_start3A_166 : memref<120x208xf32, #tpu.memory_space<hbm>>) target_semaphore(%arg8 : memref<!tpu.dma_semaphore, #tpu.memory_space<semaphore_mem>>)
    %add3A_167 = arith.constant 840 : i32
    %add3A_168 = arith.addi %mul3A_2, %add3A_167 : i32
    %dma_wait3A_169 = arith.constant 0 : i32
    %dma_wait3A_170 = tpu.memref_slice %arg2[%add3A_168, %dma_wait3A_169] : memref<100000x208xf32, #tpu.memory_space<hbm>> -> memref<120x208xf32, #tpu.memory_space<hbm>>
    %dma_wait3A_171 = arith.constant 0 : i32
    %dma_wait3A_172 = tpu.memref_slice %arg2[%add3A_168, %dma_wait3A_171] : memref<100000x208xf32, #tpu.memory_space<hbm>> -> memref<120x208xf32, #tpu.memory_space<hbm>>
    tpu.wait_dma2 semaphore(%arg7 : memref<!tpu.dma_semaphore, #tpu.memory_space<semaphore_mem>>) src(%dma_wait3A_172 : memref<120x208xf32, #tpu.memory_space<hbm>>) dst(%arg5 : memref<120x208xf32, #tpu.memory_space<vmem>>)
    %add3A_173 = arith.constant 720 : i32
    %add3A_174 = arith.addi %mul3A_2, %add3A_173 : i32
    %dma_wait3A_175 = arith.constant 0 : i32
    %dma_wait3A_176 = tpu.memref_slice %arg3[%add3A_174, %dma_wait3A_175] : memref<49920x208xf32, #tpu.memory_space<hbm>> -> memref<120x208xf32, #tpu.memory_space<hbm>>
    %dma_wait3A_177 = arith.constant 0 : i32
    %dma_wait3A_178 = tpu.memref_slice %arg3[%add3A_174, %dma_wait3A_177] : memref<49920x208xf32, #tpu.memory_space<hbm>> -> memref<120x208xf32, #tpu.memory_space<hbm>>
    tpu.wait_dma2 semaphore(%arg8 : memref<!tpu.dma_semaphore, #tpu.memory_space<semaphore_mem>>) src(%arg4 : memref<120x208xf32, #tpu.memory_space<vmem>>) dst(%dma_wait3A_178 : memref<120x208xf32, #tpu.memory_space<hbm>>)
    %add3A_179 = arith.constant 960 : i32
    %add3A_180 = arith.addi %mul3A_2, %add3A_179 : i32
    %dma_start3A_181 = arith.constant 0 : i32
    %dma_start3A_182 = tpu.memref_slice %arg2[%add3A_180, %dma_start3A_181] : memref<100000x208xf32, #tpu.memory_space<hbm>> -> memref<120x208xf32, #tpu.memory_space<hbm>>
    %dma_start3A_183 = arith.constant 0 : i32
    %dma_start3A_184 = tpu.memref_slice %arg2[%add3A_180, %dma_start3A_183] : memref<100000x208xf32, #tpu.memory_space<hbm>> -> memref<120x208xf32, #tpu.memory_space<hbm>>
    tpu.enqueue_dma source(%dma_start3A_184 : memref<120x208xf32, #tpu.memory_space<hbm>>) target(%arg4 : memref<120x208xf32, #tpu.memory_space<vmem>>) target_semaphore(%arg6 : memref<!tpu.dma_semaphore, #tpu.memory_space<semaphore_mem>>)
    %add3A_185 = arith.constant 840 : i32
    %add3A_186 = arith.addi %mul3A_2, %add3A_185 : i32
    %dma_start3A_187 = arith.constant 0 : i32
    %dma_start3A_188 = tpu.memref_slice %arg3[%add3A_186, %dma_start3A_187] : memref<49920x208xf32, #tpu.memory_space<hbm>> -> memref<120x208xf32, #tpu.memory_space<hbm>>
    %dma_start3A_189 = arith.constant 0 : i32
    %dma_start3A_190 = tpu.memref_slice %arg3[%add3A_186, %dma_start3A_189] : memref<49920x208xf32, #tpu.memory_space<hbm>> -> memref<120x208xf32, #tpu.memory_space<hbm>>
    tpu.enqueue_dma source(%arg5 : memref<120x208xf32, #tpu.memory_space<vmem>>) target(%dma_start3A_190 : memref<120x208xf32, #tpu.memory_space<hbm>>) target_semaphore(%arg9 : memref<!tpu.dma_semaphore, #tpu.memory_space<semaphore_mem>>)
    %add3A_191 = arith.constant 960 : i32
    %add3A_192 = arith.addi %mul3A_2, %add3A_191 : i32
    %dma_wait3A_193 = arith.constant 0 : i32
    %dma_wait3A_194 = tpu.memref_slice %arg2[%add3A_192, %dma_wait3A_193] : memref<100000x208xf32, #tpu.memory_space<hbm>> -> memref<120x208xf32, #tpu.memory_space<hbm>>
    %dma_wait3A_195 = arith.constant 0 : i32
    %dma_wait3A_196 = tpu.memref_slice %arg2[%add3A_192, %dma_wait3A_195] : memref<100000x208xf32, #tpu.memory_space<hbm>> -> memref<120x208xf32, #tpu.memory_space<hbm>>
    tpu.wait_dma2 semaphore(%arg6 : memref<!tpu.dma_semaphore, #tpu.memory_space<semaphore_mem>>) src(%dma_wait3A_196 : memref<120x208xf32, #tpu.memory_space<hbm>>) dst(%arg4 : memref<120x208xf32, #tpu.memory_space<vmem>>)
    %add3A_197 = arith.constant 840 : i32
    %add3A_198 = arith.addi %mul3A_2, %add3A_197 : i32
    %dma_wait3A_199 = arith.constant 0 : i32
    %dma_wait3A_200 = tpu.memref_slice %arg3[%add3A_198, %dma_wait3A_199] : memref<49920x208xf32, #tpu.memory_space<hbm>> -> memref<120x208xf32, #tpu.memory_space<hbm>>
    %dma_wait3A_201 = arith.constant 0 : i32
    %dma_wait3A_202 = tpu.memref_slice %arg3[%add3A_198, %dma_wait3A_201] : memref<49920x208xf32, #tpu.memory_space<hbm>> -> memref<120x208xf32, #tpu.memory_space<hbm>>
    tpu.wait_dma2 semaphore(%arg9 : memref<!tpu.dma_semaphore, #tpu.memory_space<semaphore_mem>>) src(%arg5 : memref<120x208xf32, #tpu.memory_space<vmem>>) dst(%dma_wait3A_202 : memref<120x208xf32, #tpu.memory_space<hbm>>)
    %add3A_203 = arith.constant 1080 : i32
    %add3A_204 = arith.addi %mul3A_2, %add3A_203 : i32
    %dma_start3A_205 = arith.constant 0 : i32
    %dma_start3A_206 = tpu.memref_slice %arg2[%add3A_204, %dma_start3A_205] : memref<100000x208xf32, #tpu.memory_space<hbm>> -> memref<120x208xf32, #tpu.memory_space<hbm>>
    %dma_start3A_207 = arith.constant 0 : i32
    %dma_start3A_208 = tpu.memref_slice %arg2[%add3A_204, %dma_start3A_207] : memref<100000x208xf32, #tpu.memory_space<hbm>> -> memref<120x208xf32, #tpu.memory_space<hbm>>
    tpu.enqueue_dma source(%dma_start3A_208 : memref<120x208xf32, #tpu.memory_space<hbm>>) target(%arg5 : memref<120x208xf32, #tpu.memory_space<vmem>>) target_semaphore(%arg7 : memref<!tpu.dma_semaphore, #tpu.memory_space<semaphore_mem>>)
    %add3A_209 = arith.constant 960 : i32
    %add3A_210 = arith.addi %mul3A_2, %add3A_209 : i32
    %dma_start3A_211 = arith.constant 0 : i32
    %dma_start3A_212 = tpu.memref_slice %arg3[%add3A_210, %dma_start3A_211] : memref<49920x208xf32, #tpu.memory_space<hbm>> -> memref<120x208xf32, #tpu.memory_space<hbm>>
    %dma_start3A_213 = arith.constant 0 : i32
    %dma_start3A_214 = tpu.memref_slice %arg3[%add3A_210, %dma_start3A_213] : memref<49920x208xf32, #tpu.memory_space<hbm>> -> memref<120x208xf32, #tpu.memory_space<hbm>>
    tpu.enqueue_dma source(%arg4 : memref<120x208xf32, #tpu.memory_space<vmem>>) target(%dma_start3A_214 : memref<120x208xf32, #tpu.memory_space<hbm>>) target_semaphore(%arg8 : memref<!tpu.dma_semaphore, #tpu.memory_space<semaphore_mem>>)
    %add3A_215 = arith.constant 1080 : i32
    %add3A_216 = arith.addi %mul3A_2, %add3A_215 : i32
    %dma_wait3A_217 = arith.constant 0 : i32
    %dma_wait3A_218 = tpu.memref_slice %arg2[%add3A_216, %dma_wait3A_217] : memref<100000x208xf32, #tpu.memory_space<hbm>> -> memref<120x208xf32, #tpu.memory_space<hbm>>
    %dma_wait3A_219 = arith.constant 0 : i32
    %dma_wait3A_220 = tpu.memref_slice %arg2[%add3A_216, %dma_wait3A_219] : memref<100000x208xf32, #tpu.memory_space<hbm>> -> memref<120x208xf32, #tpu.memory_space<hbm>>
    tpu.wait_dma2 semaphore(%arg7 : memref<!tpu.dma_semaphore, #tpu.memory_space<semaphore_mem>>) src(%dma_wait3A_220 : memref<120x208xf32, #tpu.memory_space<hbm>>) dst(%arg5 : memref<120x208xf32, #tpu.memory_space<vmem>>)
    %add3A_221 = arith.constant 960 : i32
    %add3A_222 = arith.addi %mul3A_2, %add3A_221 : i32
    %dma_wait3A_223 = arith.constant 0 : i32
    %dma_wait3A_224 = tpu.memref_slice %arg3[%add3A_222, %dma_wait3A_223] : memref<49920x208xf32, #tpu.memory_space<hbm>> -> memref<120x208xf32, #tpu.memory_space<hbm>>
    %dma_wait3A_225 = arith.constant 0 : i32
    %dma_wait3A_226 = tpu.memref_slice %arg3[%add3A_222, %dma_wait3A_225] : memref<49920x208xf32, #tpu.memory_space<hbm>> -> memref<120x208xf32, #tpu.memory_space<hbm>>
    tpu.wait_dma2 semaphore(%arg8 : memref<!tpu.dma_semaphore, #tpu.memory_space<semaphore_mem>>) src(%arg4 : memref<120x208xf32, #tpu.memory_space<vmem>>) dst(%dma_wait3A_226 : memref<120x208xf32, #tpu.memory_space<hbm>>)
    %add3A_227 = arith.constant 1200 : i32
    %add3A_228 = arith.addi %mul3A_2, %add3A_227 : i32
    %dma_start3A_229 = arith.constant 0 : i32
    %dma_start3A_230 = tpu.memref_slice %arg2[%add3A_228, %dma_start3A_229] : memref<100000x208xf32, #tpu.memory_space<hbm>> -> memref<120x208xf32, #tpu.memory_space<hbm>>
    %dma_start3A_231 = arith.constant 0 : i32
    %dma_start3A_232 = tpu.memref_slice %arg2[%add3A_228, %dma_start3A_231] : memref<100000x208xf32, #tpu.memory_space<hbm>> -> memref<120x208xf32, #tpu.memory_space<hbm>>
    tpu.enqueue_dma source(%dma_start3A_232 : memref<120x208xf32, #tpu.memory_space<hbm>>) target(%arg4 : memref<120x208xf32, #tpu.memory_space<vmem>>) target_semaphore(%arg6 : memref<!tpu.dma_semaphore, #tpu.memory_space<semaphore_mem>>)
    %add3A_233 = arith.constant 1080 : i32
    %add3A_234 = arith.addi %mul3A_2, %add3A_233 : i32
    %dma_start3A_235 = arith.constant 0 : i32
    %dma_start3A_236 = tpu.memref_slice %arg3[%add3A_234, %dma_start3A_235] : memref<49920x208xf32, #tpu.memory_space<hbm>> -> memref<120x208xf32, #tpu.memory_space<hbm>>
    %dma_start3A_237 = arith.constant 0 : i32
    %dma_start3A_238 = tpu.memref_slice %arg3[%add3A_234, %dma_start3A_237] : memref<49920x208xf32, #tpu.memory_space<hbm>> -> memref<120x208xf32, #tpu.memory_space<hbm>>
    tpu.enqueue_dma source(%arg5 : memref<120x208xf32, #tpu.memory_space<vmem>>) target(%dma_start3A_238 : memref<120x208xf32, #tpu.memory_space<hbm>>) target_semaphore(%arg9 : memref<!tpu.dma_semaphore, #tpu.memory_space<semaphore_mem>>)
    %add3A_239 = arith.constant 1200 : i32
    %add3A_240 = arith.addi %mul3A_2, %add3A_239 : i32
    %dma_wait3A_241 = arith.constant 0 : i32
    %dma_wait3A_242 = tpu.memref_slice %arg2[%add3A_240, %dma_wait3A_241] : memref<100000x208xf32, #tpu.memory_space<hbm>> -> memref<120x208xf32, #tpu.memory_space<hbm>>
    %dma_wait3A_243 = arith.constant 0 : i32
    %dma_wait3A_244 = tpu.memref_slice %arg2[%add3A_240, %dma_wait3A_243] : memref<100000x208xf32, #tpu.memory_space<hbm>> -> memref<120x208xf32, #tpu.memory_space<hbm>>
    tpu.wait_dma2 semaphore(%arg6 : memref<!tpu.dma_semaphore, #tpu.memory_space<semaphore_mem>>) src(%dma_wait3A_244 : memref<120x208xf32, #tpu.memory_space<hbm>>) dst(%arg4 : memref<120x208xf32, #tpu.memory_space<vmem>>)
    %add3A_245 = arith.constant 1080 : i32
    %add3A_246 = arith.addi %mul3A_2, %add3A_245 : i32
    %dma_wait3A_247 = arith.constant 0 : i32
    %dma_wait3A_248 = tpu.memref_slice %arg3[%add3A_246, %dma_wait3A_247] : memref<49920x208xf32, #tpu.memory_space<hbm>> -> memref<120x208xf32, #tpu.memory_space<hbm>>
    %dma_wait3A_249 = arith.constant 0 : i32
    %dma_wait3A_250 = tpu.memref_slice %arg3[%add3A_246, %dma_wait3A_249] : memref<49920x208xf32, #tpu.memory_space<hbm>> -> memref<120x208xf32, #tpu.memory_space<hbm>>
    tpu.wait_dma2 semaphore(%arg9 : memref<!tpu.dma_semaphore, #tpu.memory_space<semaphore_mem>>) src(%arg5 : memref<120x208xf32, #tpu.memory_space<vmem>>) dst(%dma_wait3A_250 : memref<120x208xf32, #tpu.memory_space<hbm>>)
    %add3A_251 = arith.constant 1320 : i32
    %add3A_252 = arith.addi %mul3A_2, %add3A_251 : i32
    %dma_start3A_253 = arith.constant 0 : i32
    %dma_start3A_254 = tpu.memref_slice %arg2[%add3A_252, %dma_start3A_253] : memref<100000x208xf32, #tpu.memory_space<hbm>> -> memref<120x208xf32, #tpu.memory_space<hbm>>
    %dma_start3A_255 = arith.constant 0 : i32
    %dma_start3A_256 = tpu.memref_slice %arg2[%add3A_252, %dma_start3A_255] : memref<100000x208xf32, #tpu.memory_space<hbm>> -> memref<120x208xf32, #tpu.memory_space<hbm>>
    tpu.enqueue_dma source(%dma_start3A_256 : memref<120x208xf32, #tpu.memory_space<hbm>>) target(%arg5 : memref<120x208xf32, #tpu.memory_space<vmem>>) target_semaphore(%arg7 : memref<!tpu.dma_semaphore, #tpu.memory_space<semaphore_mem>>)
    %add3A_257 = arith.constant 1200 : i32
    %add3A_258 = arith.addi %mul3A_2, %add3A_257 : i32
    %dma_start3A_259 = arith.constant 0 : i32
    %dma_start3A_260 = tpu.memref_slice %arg3[%add3A_258, %dma_start3A_259] : memref<49920x208xf32, #tpu.memory_space<hbm>> -> memref<120x208xf32, #tpu.memory_space<hbm>>
    %dma_start3A_261 = arith.constant 0 : i32
    %dma_start3A_262 = tpu.memref_slice %arg3[%add3A_258, %dma_start3A_261] : memref<49920x208xf32, #tpu.memory_space<hbm>> -> memref<120x208xf32, #tpu.memory_space<hbm>>
    tpu.enqueue_dma source(%arg4 : memref<120x208xf32, #tpu.memory_space<vmem>>) target(%dma_start3A_262 : memref<120x208xf32, #tpu.memory_space<hbm>>) target_semaphore(%arg8 : memref<!tpu.dma_semaphore, #tpu.memory_space<semaphore_mem>>)
    %add3A_263 = arith.constant 1320 : i32
    %add3A_264 = arith.addi %mul3A_2, %add3A_263 : i32
    %dma_wait3A_265 = arith.constant 0 : i32
    %dma_wait3A_266 = tpu.memref_slice %arg2[%add3A_264, %dma_wait3A_265] : memref<100000x208xf32, #tpu.memory_space<hbm>> -> memref<120x208xf32, #tpu.memory_space<hbm>>
    %dma_wait3A_267 = arith.constant 0 : i32
    %dma_wait3A_268 = tpu.memref_slice %arg2[%add3A_264, %dma_wait3A_267] : memref<100000x208xf32, #tpu.memory_space<hbm>> -> memref<120x208xf32, #tpu.memory_space<hbm>>
    tpu.wait_dma2 semaphore(%arg7 : memref<!tpu.dma_semaphore, #tpu.memory_space<semaphore_mem>>) src(%dma_wait3A_268 : memref<120x208xf32, #tpu.memory_space<hbm>>) dst(%arg5 : memref<120x208xf32, #tpu.memory_space<vmem>>)
    %add3A_269 = arith.constant 1200 : i32
    %add3A_270 = arith.addi %mul3A_2, %add3A_269 : i32
    %dma_wait3A_271 = arith.constant 0 : i32
    %dma_wait3A_272 = tpu.memref_slice %arg3[%add3A_270, %dma_wait3A_271] : memref<49920x208xf32, #tpu.memory_space<hbm>> -> memref<120x208xf32, #tpu.memory_space<hbm>>
    %dma_wait3A_273 = arith.constant 0 : i32
    %dma_wait3A_274 = tpu.memref_slice %arg3[%add3A_270, %dma_wait3A_273] : memref<49920x208xf32, #tpu.memory_space<hbm>> -> memref<120x208xf32, #tpu.memory_space<hbm>>
    tpu.wait_dma2 semaphore(%arg8 : memref<!tpu.dma_semaphore, #tpu.memory_space<semaphore_mem>>) src(%arg4 : memref<120x208xf32, #tpu.memory_space<vmem>>) dst(%dma_wait3A_274 : memref<120x208xf32, #tpu.memory_space<hbm>>)
    %add3A_275 = arith.constant 1440 : i32
    %add3A_276 = arith.addi %mul3A_2, %add3A_275 : i32
    %dma_start3A_277 = arith.constant 0 : i32
    %dma_start3A_278 = tpu.memref_slice %arg2[%add3A_276, %dma_start3A_277] : memref<100000x208xf32, #tpu.memory_space<hbm>> -> memref<120x208xf32, #tpu.memory_space<hbm>>
    %dma_start3A_279 = arith.constant 0 : i32
    %dma_start3A_280 = tpu.memref_slice %arg2[%add3A_276, %dma_start3A_279] : memref<100000x208xf32, #tpu.memory_space<hbm>> -> memref<120x208xf32, #tpu.memory_space<hbm>>
    tpu.enqueue_dma source(%dma_start3A_280 : memref<120x208xf32, #tpu.memory_space<hbm>>) target(%arg4 : memref<120x208xf32, #tpu.memory_space<vmem>>) target_semaphore(%arg6 : memref<!tpu.dma_semaphore, #tpu.memory_space<semaphore_mem>>)
    %add3A_281 = arith.constant 1320 : i32
    %add3A_282 = arith.addi %mul3A_2, %add3A_281 : i32
    %dma_start3A_283 = arith.constant 0 : i32
    %dma_start3A_284 = tpu.memref_slice %arg3[%add3A_282, %dma_start3A_283] : memref<49920x208xf32, #tpu.memory_space<hbm>> -> memref<120x208xf32, #tpu.memory_space<hbm>>
    %dma_start3A_285 = arith.constant 0 : i32
    %dma_start3A_286 = tpu.memref_slice %arg3[%add3A_282, %dma_start3A_285] : memref<49920x208xf32, #tpu.memory_space<hbm>> -> memref<120x208xf32, #tpu.memory_space<hbm>>
    tpu.enqueue_dma source(%arg5 : memref<120x208xf32, #tpu.memory_space<vmem>>) target(%dma_start3A_286 : memref<120x208xf32, #tpu.memory_space<hbm>>) target_semaphore(%arg9 : memref<!tpu.dma_semaphore, #tpu.memory_space<semaphore_mem>>)
    %add3A_287 = arith.constant 1440 : i32
    %add3A_288 = arith.addi %mul3A_2, %add3A_287 : i32
    %dma_wait3A_289 = arith.constant 0 : i32
    %dma_wait3A_290 = tpu.memref_slice %arg2[%add3A_288, %dma_wait3A_289] : memref<100000x208xf32, #tpu.memory_space<hbm>> -> memref<120x208xf32, #tpu.memory_space<hbm>>
    %dma_wait3A_291 = arith.constant 0 : i32
    %dma_wait3A_292 = tpu.memref_slice %arg2[%add3A_288, %dma_wait3A_291] : memref<100000x208xf32, #tpu.memory_space<hbm>> -> memref<120x208xf32, #tpu.memory_space<hbm>>
    tpu.wait_dma2 semaphore(%arg6 : memref<!tpu.dma_semaphore, #tpu.memory_space<semaphore_mem>>) src(%dma_wait3A_292 : memref<120x208xf32, #tpu.memory_space<hbm>>) dst(%arg4 : memref<120x208xf32, #tpu.memory_space<vmem>>)
    %add3A_293 = arith.constant 1440 : i32
    %add3A_294 = arith.addi %mul3A_2, %add3A_293 : i32
    %dma_start3A_295 = arith.constant 0 : i32
    %dma_start3A_296 = tpu.memref_slice %arg3[%add3A_294, %dma_start3A_295] : memref<49920x208xf32, #tpu.memory_space<hbm>> -> memref<120x208xf32, #tpu.memory_space<hbm>>
    %dma_start3A_297 = arith.constant 0 : i32
    %dma_start3A_298 = tpu.memref_slice %arg3[%add3A_294, %dma_start3A_297] : memref<49920x208xf32, #tpu.memory_space<hbm>> -> memref<120x208xf32, #tpu.memory_space<hbm>>
    tpu.enqueue_dma source(%arg4 : memref<120x208xf32, #tpu.memory_space<vmem>>) target(%dma_start3A_298 : memref<120x208xf32, #tpu.memory_space<hbm>>) target_semaphore(%arg8 : memref<!tpu.dma_semaphore, #tpu.memory_space<semaphore_mem>>)
    %add3A_299 = arith.constant 1440 : i32
    %add3A_300 = arith.addi %mul3A_2, %add3A_299 : i32
    %dma_wait3A_301 = arith.constant 0 : i32
    %dma_wait3A_302 = tpu.memref_slice %arg3[%add3A_300, %dma_wait3A_301] : memref<49920x208xf32, #tpu.memory_space<hbm>> -> memref<120x208xf32, #tpu.memory_space<hbm>>
    %dma_wait3A_303 = arith.constant 0 : i32
    %dma_wait3A_304 = tpu.memref_slice %arg3[%add3A_300, %dma_wait3A_303] : memref<49920x208xf32, #tpu.memory_space<hbm>> -> memref<120x208xf32, #tpu.memory_space<hbm>>
    tpu.wait_dma2 semaphore(%arg8 : memref<!tpu.dma_semaphore, #tpu.memory_space<semaphore_mem>>) src(%arg4 : memref<120x208xf32, #tpu.memory_space<vmem>>) dst(%dma_wait3A_304 : memref<120x208xf32, #tpu.memory_space<hbm>>)
    %add3A_305 = arith.constant 1320 : i32
    %add3A_306 = arith.addi %mul3A_2, %add3A_305 : i32
    %dma_wait3A_307 = arith.constant 0 : i32
    %dma_wait3A_308 = tpu.memref_slice %arg3[%add3A_306, %dma_wait3A_307] : memref<49920x208xf32, #tpu.memory_space<hbm>> -> memref<120x208xf32, #tpu.memory_space<hbm>>
    %dma_wait3A_309 = arith.constant 0 : i32
    %dma_wait3A_310 = tpu.memref_slice %arg3[%add3A_306, %dma_wait3A_309] : memref<49920x208xf32, #tpu.memory_space<hbm>> -> memref<120x208xf32, #tpu.memory_space<hbm>>
    tpu.wait_dma2 semaphore(%arg9 : memref<!tpu.dma_semaphore, #tpu.memory_space<semaphore_mem>>) src(%arg5 : memref<120x208xf32, #tpu.memory_space<vmem>>) dst(%dma_wait3A_310 : memref<120x208xf32, #tpu.memory_space<hbm>>)
    return
  }
}

module attributes {stable_mosaic.version = 14 : i64} {
  func.func @_tc_copy(%arg0: i32, %arg1: memref<6240x208xf32, #tpu.memory_space<vmem>>, %arg2: memref<6240x208xf32, #tpu.memory_space<vmem>>) attributes {dimension_semantics = [#tpu.dimension_semantics<arbitrary>], iteration_bounds = array<i64: 8>, scalar_prefetch = 0 : i64, scratch_operands = 0 : i64, tpu.core_type = #tpu.core_type<tc>, window_params = [{transform_indices = @transform_0, window_bounds = array<i64: 6240, 208>}, {transform_indices = @transform_1, window_bounds = array<i64: 6240, 208>}]} {
    %get3A = arith.constant 0 : index
    %get3A_0 = arith.constant 0 : index
    %get3A_1 = vector.load %arg1[%get3A, %get3A_0] : memref<6240x208xf32, #tpu.memory_space<vmem>>, vector<6240x208xf32>
    %mul3A = arith.constant 1.00000012 : f32
    %mul3A_2 = vector.broadcast %mul3A : f32 to vector<6240x208xf32>
    %mul3A_3 = arith.mulf %get3A_1, %mul3A_2 : vector<6240x208xf32>
    %swap3A = arith.constant 0 : index
    %swap3A_4 = arith.constant 0 : index
    %swap3A_5 = vector.load %arg2[%swap3A, %swap3A_4] : memref<6240x208xf32, #tpu.memory_space<vmem>>, vector<6240x208xf32>
    tpu.vector_store %arg2[%swap3A, %swap3A_4], %mul3A_3 {strides = array<i32>} : memref<6240x208xf32, #tpu.memory_space<vmem>>, vector<6240x208xf32>,
    return
  }
  func.func @transform_0(%arg0: i32) -> (i32, i32) {
    %add3A = arith.constant 8 : i32
    %add3A_0 = arith.addi %arg0, %add3A : i32
    %c0_i32 = arith.constant 0 : i32
    %c0_i32_1 = arith.constant 0 : i32
    return %add3A_0, %c0_i32 : i32, i32
  }
  func.func @transform_1(%arg0: i32) -> (i32, i32) {
    %c0_i32 = arith.constant 0 : i32
    %c0_i32_0 = arith.constant 0 : i32
    return %arg0, %c0_i32 : i32, i32
  }
}

</mosaic_0001>

<sc_bundles>
// kernel: kernel.4.cloned.1.call-start
scs
__scs_entry_jumppad:
0x0: {  	(pc) =	sbr.rel $0x88, $3  }
0x1: {  	(tag) =	ssettag $0x0;
	lr =	simm.s32 $0x1  }
0x2: {  	[smem:$0x3FA0] =	sst lr;
	_ =	strace $0xD0000000  }
0x3: {  	_ = 	snop  }
0x4: {  	_ = 	snop  }
0x5: {  	_ = 	snop  }
0x6: {  	_ = 	snop  }
0x7: {  	_ = 	snop  }
__scs_overlays_trampoline_lowered:
0x8: {  	[smem:$0x3FAF] =	sst s0  }
0x9: {  	[smem:$0x3FB0] =	sst s1  }
0xa: {  	[smem:$0x3FB1] =	sst s2  }
0xb: {  	[smem:$0x3FB2] =	sst s3  }
0xc: {  	[smem:$0x3FB3] =	sst s4  }
0xd: {  	[smem:$0x3FB4] =	sst s5  }
0xe: {  	[smem:$0x3FB5] =	sst s6  }
0xf: {  	[smem:$0x3FB6] =	sst s7  }
0x10: {  	[smem:$0x3FB7] =	sst s8  }
0x11: {  	[smem:$0x3FB8] =	sst s9;
	s0 =	simm.s32 @!p0 $0x0  }
0x12: {  	s1 =	sld [smem:$0x3F9E];
	s0 =	simm.s32 @p0 $0x1  }
0x13: {  	[smem:$0x3FB9] =	sst s0;
	s0 =	simm.s32 @!p1 $0x0  }
0x14: {  	s2 =	sld [smem:$0x3F9D];
	s0 =	simm.s32 @p1 $0x1  }
0x15: {  	[smem:$0x3FBA] =	sst s0;
	s0 =	simm.s32 @!p2 $0x0  }
0x16: {  	s3 =	sld [smem:$0x3FDB];
	s0 =	simm.s32 @p2 $0x1  }
0x17: {  	s4 =	simm.s32 $0x1BF5;
	[smem:$0x3FBC] =	sst s0  }
0x18: {  	s0 =	sld [smem:$0x3F9F];
	_ =	swait.ge [sflag:s4], $0x0  }
0x19: {  	s7 =	sld [smem:$0x3FA0]  }
0x1a: {  	s8 =	sadd.s32 $0xFFFFE003, lr  }
0x1b: {  	s9 =	sadd.s32 $0xFFFFFEF7, lr;
	s5 =	simm.s32 $0xFFFFFFFF;
	p2 =	slt.u32 s8, $0xFFFFF086  }
0x1c: {  	p1 =	slt.u32 s9, $0xF7A;
	s5 =	simm.s32 @!p2 $0x0  }
0x1d: {  	s5 =	simm.s32 @p1 $0x1;
	p0 =	seq.s32 s7, s2  }
0x1e: {  	s7 =	smul.u32 @!p0 $0xF7A, s2;
	p2 =	seq.s32 @!p0 s5, $0x0  }
0x1f: {  	s9 =	smul.u32 $0xF7A, s1;
	s8 =	simm.s32 @!p0 $0x1BF5;
	p2 =	por !p2, p0  }
0x20: {  	[sflag:s8] =	ssyncset.s32 @!p0 $0xFFFFF086;
	s6 =	sadd.s32 @!p0 s3, s7;
	s7 =	simm.s32 @!p0 $0x108  }
0x21: {  	s3 =	sadd.s32 s3, s9;
	s6 =	sadd.s32 @!p0 $0x88, s6;
	s7 =	simm.s32 @p2 $0x1082  }
0x22: {  	[simem:s7], [sflag:s8] =	dma.local @!p0 [hbm:s6], $0xF7A  }
0x23: {  	s9 =	sor.u32 $0xD0000000, s2;
	s6 =	simm.s32 $0x108;
	_ =	swait.ge @!p0 [sflag:s8], $0x0  }
0x24: {  	s3 =	sadd.s32 $0x88, s3;
	s6 =	simm.s32 @!p1 $0x1082;
	[sflag:s4] =	ssyncset.s32 $0xFFFFF086  }
0x25: {  	[simem:s6], [sflag:s4] =	dma.local [hbm:s3], $0xF7A  }
0x26: {  	[smem:$0x3FA0] =	sst s1;
	(tag) =	ssettag s2;
	_ =	strace s9  }
0x27: {  	s1 =	sld [smem:$0x3FB0]  }
0x28: {  	s2 =	sld [smem:$0x3FB1]  }
0x29: {  	s4 =	sld [smem:$0x3FB3]  }
0x2a: {  	p0 =	seq.s32 s5, $0x0;
	s5 =	sld [smem:$0x3FB4]  }
0x2b: {  	s6 =	sld [smem:$0x3FB5]  }
0x2c: {  	s7 =	sld [smem:$0x3FB6]  }
0x2d: {  	s3 =	simm.s32 $0x108;
	s8 =	sld [smem:$0x3FB7]  }
0x2e: {  	s3 =	simm.s32 @!p0 $0x1082;
	s9 =	sld [smem:$0x3FB8]  }
0x2f: {  	lr =	sadd.s32 s0, s3;
	s0 =	sld [smem:$0x3FAF]  }
0x30: {  	s3 =	sld [smem:$0x3FB2]  }
0x31: {  	[smem:$0x3FBB] =	sst s10  }
0x32: {  	s10 =	sld [smem:$0x3FB9];
	_ =	sdelay $0x3  }
0x33: {  	p0 =	seq.s32 s10, $0x1;
	s10 =	sld [smem:$0x3FBB];
	_ =	sdelay $0x3  }
0x34: {  	[smem:$0x3FBB] =	sst s10  }
0x35: {  	s10 =	sld [smem:$0x3FBA];
	_ =	sdelay $0x3  }
0x36: {  	p1 =	seq.s32 s10, $0x1;
	s10 =	sld [smem:$0x3FBB];
	_ =	sdelay $0x3  }
0x37: {  	[smem:$0x3FBB] =	sst s10  }
0x38: {  	s10 =	sld [smem:$0x3FBC]  }
0x39: {  	_ = 	snop;
	(pc) =	sbr.ind lr, $3  }
0x3a: {  	_ = 	snop  }
0x3b: {  	_ = 	snop  }
0x3c: {  	p2 =	seq.s32 s10, $0x1;
	s10 =	sld [smem:$0x3FBB]  }
0x3d: {  	_ =	shalt  }
0x3e: {  	_ =	shalt  }
0x3f: {  	_ =	shalt  }
0x40: {  	_ =	shalt  }
0x41: {  	_ =	shalt  }
0x42: {  	_ =	shalt  }
0x43: {  	_ =	shalt  }
0x44: {  	_ =	shalt  }
0x45: {  	_ =	shalt  }
0x46: {  	_ =	shalt  }
0x47: {  	_ =	shalt  }
0x48: {  	_ =	shalt  }
0x49: {  	_ =	shalt  }
0x4a: {  	_ =	shalt  }
0x4b: {  	_ =	shalt  }
0x4c: {  	_ =	shalt  }
0x4d: {  	_ =	shalt  }
0x4e: {  	_ =	shalt  }
0x4f: {  	_ =	shalt  }
0x50: {  	_ =	shalt  }
0x51: {  	_ =	shalt  }
0x52: {  	_ =	shalt  }
0x53: {  	_ =	shalt  }
0x54: {  	_ =	shalt  }
0x55: {  	_ =	shalt  }
0x56: {  	_ =	shalt  }
0x57: {  	_ =	shalt  }
0x58: {  	_ =	shalt  }
0x59: {  	_ =	shalt  }
0x5a: {  	_ =	shalt  }
0x5b: {  	_ =	shalt  }
0x5c: {  	_ =	shalt  }
0x5d: {  	_ =	shalt  }
0x5e: {  	_ =	shalt  }
0x5f: {  	_ =	shalt  }
0x60: {  	_ =	shalt  }
0x61: {  	_ =	shalt  }
0x62: {  	_ =	shalt  }
0x63: {  	_ =	shalt  }
0x64: {  	_ =	shalt  }
0x65: {  	_ =	shalt  }
0x66: {  	_ =	shalt  }
0x67: {  	_ =	shalt  }
0x68: {  	_ =	shalt  }
0x69: {  	_ =	shalt  }
0x6a: {  	_ =	shalt  }
0x6b: {  	_ =	shalt  }
0x6c: {  	_ =	shalt  }
0x6d: {  	_ =	shalt  }
0x6e: {  	_ =	shalt  }
0x6f: {  	_ =	shalt  }
0x70: {  	_ =	shalt  }
0x71: {  	_ =	shalt  }
0x72: {  	_ =	shalt  }
0x73: {  	_ =	shalt  }
0x74: {  	_ =	shalt  }
0x75: {  	_ =	shalt  }
0x76: {  	_ =	shalt  }
0x77: {  	_ =	shalt  }
0x78: {  	_ =	shalt  }
0x79: {  	_ =	shalt  }
0x7a: {  	_ =	shalt  }
0x7b: {  	_ =	shalt  }
0x7c: {  	_ =	shalt  }
0x7d: {  	_ =	shalt  }
0x7e: {  	_ =	shalt  }
0x7f: {  	_ =	shalt  }
0x80: {  	_ =	shalt  }
0x81: {  	_ =	shalt  }
0x82: {  	_ =	shalt  }
0x83: {  	_ =	shalt  }
0x84: {  	_ =	shalt  }
0x85: {  	_ =	shalt  }
0x86: {  	_ =	shalt  }
0x87: {  	_ =	shalt  }
.Lfunc_end0:
.L_simem_size_0:
called_computation_lowered:
.L_overlay_start_0:
0x88: {  	s2 =	sld [smem:$0x3FD9]  }
0x89: {  	s3 =	sld [smem:$0x3FFE];
	_ =	sdelay $0x1  }
0x8a: {  	s1 =	srdreg.scid  }
0x8b: {  	s0 =	sand.u32 $0x1, s1  }
0x8c: {  	s16 =	sshll.u32 s0, $0xA;
	s2 =	sadd.s32 s3, s2  }
0x8d: {  	s2 =	sadd.s32 s2, s16  }
0x8e: {  	[smem:$0x3FC7] =	sst s2  }
0x8f: {  	_ = 	snop  }
0x90: {  	(tm) =	ssettm $0x1  }
0x91: {  	s17 =	sld [smem:$0x3FFB];
	_ =	sdelay $0x3  }
0x92: {  	_ =	strace s17  }
0x93: {  	s2 =	sld [smem:$0x3FFC];
	_ =	sdelay $0x3  }
0x94: {  	_ =	strace s2  }
0x95: {  	s2 =	sld [smem:$0x3FFD];
	_ =	sdelay $0x3  }
0x96: {  	_ =	strace s2  }
0x97: {  	_ =	strace $0x8FFFFFFF  }
0x98: {  	s18 =	sld [smem:$0x3FDB];
	_ =	sdelay $0x1  }
0x99: {  	s19 =	simm.s32 $_scs_section_size  }
0x9a: {  	s4 =	simm.s32 $_size__tile_overlayer_lowered;
	s5 =	simm.s32 $_tile_overlayer_lowered  }
0x9b: {  	s22 =	simm.s32 $0x1BFF;
	s21 =	sshll.u32 s5, $0x1;
	s2 =	sadd.s32 s19, s18  }
0x9c: {  	s6 =	simm.s32 $0x0;
	s20 =	sshll.u32 s4, $0x1;
	s4 =	sadd.s32 s21, s2  }
0x9d: {  	[timem:s6], [sflag:s22] =	dma.local [hbm:s4], s20  }
0x9e: {  	_ =	swait.ge [sflag:s22], s20  }
0x9f: {  	s3 =	ssub.s32 $0x0, s20;
	[sflag:s22] =	ssyncset.done $0x0  }
0xa0: {  	[sflag:s22] =	ssyncadd.s32 s3;
	_ =	sdelay $0x1  }
0xa1: {  	s23 =	simm.s32 $0x1B8B  }
0xa2: {  	_ =	swait.ge [sflag:s23], $0x1  }
0xa3: {  	[sflag:s23] =	ssyncset.done $0x0  }
0xa4: {  	s25 =	simm.s32 $0x1B8E;
	s24 =	sld [smem:$0x3FFE];
	[sflag:s23] =	ssyncadd.s32 $0xFFFFFFFF  }
0xa5: {  	s26 =	simm.s32 $execute0_lowered;
	[smem:$0x3FD2] =	sst s25  }
0xa6: {  	s4 =	sshll.u32 s26, $0x1;
	_ =	strace $0x80000046;
	[dreg:$0x1] =	wrdreg $0xFFFFFFFF  }
0xa7: {  	s28 =	simm.s32 $_size_execute0_lowered;
	s2 =	sadd.s32 s2, s4;
	[dreg:$0x0] =	wrdreg $0x0  }
0xa8: {  	s4 =	sshll.u32 s28, $0x1;
	[dreg:$0x2] =	wrdreg s2  }
0xa9: {  	[dreg:$0x3] =	wrdreg s4  }
0xaa: {  	[dreg:$0x4] =	wrdreg $0xC0  }
0xab: {  	_ =	task [dreg:s6], $0x5FFFF  }
0xac: {  	[dreg:$0x1] =	wrdreg $0xFFFFFFFF  }
0xad: {  	[dreg:$0x0] =	wrdreg $0x60  }
0xae: {  	[dreg:$0x2] =	wrdreg s24  }
0xaf: {  	[dreg:$0x3] =	wrdreg $0x9  }
0xb0: {  	_ =	task.clear_ibuf [dreg:s6], $0x4FFFF;
	_ =	strace $0x90000046  }
0xb1: {  	s29 =	simm.s32 $0x9;
	_ =	strace $0x80000048  }
0xb2: {  	_ =	swait.ge [sflag:s29], $0x1  }
0xb3: {  	[sflag:s29] =	ssyncadd.s32 $0xFFFFFFFF  }
0xb4: {  	_ =	strace $0x90000048  }
0xb5: {  	_ =	sfence  }
0xb6: {  	s30 =	sld [smem:$0x0];
	_ =	sdelay $0x2  }
0xb7: {  	s31 =	sshll.u32 s1, $0xD;
	s1 =	sshrl.u32 s1, $0x2  }
0xb8: {  	s3 =	sand.u32 $0x4000, s31;
	s1 =	sadd.s32 s1, s30  }
0xb9: {  	s0 =	sor.u32 s3, s0;
	s1 =	sshll.u32 s1, $0x11  }
0xba: {  	s0 =	sor.u32 s1, s0  }
0xbb: {  	s0 =	sadd.s32 $0x8F2B, s0  }
0xbc: {  	[sflag:s0] =	ssyncadd.remote.s32 $0x1  }
0xbd: {  	_ =	sfence.sel $0xFFFF  }
0xbe: {  	[dreg:$0x0] =	wrdreg $0xFFFFFFFF;
	(pc) =	sbr.abs _section_cstart, $3  }
0xbf: {  	[dreg:$0x1] =	wrdreg $0xFFFFFFFF  }
0xc0: {  	_ =	task.clear_ibuf [dreg:s6], $0x2FFFF;
	_ =	strace $0x9FFFFFFF  }
0xc1: {  	(tm) =	ssettm $0x7FFFFFFF  }
tec
execute0_lowered:
.L_overlay_start_1:
0x0: {  	(tag) =	ssettag $0x1  }
0x1: {  	s0 =	srdreg.scid;
	s2 =	stileid.u32  }
0x2: {  	s0 =	sand.u32 $0x1, s0;
	s3 =	sshll.u32 s2, $0x1  }
0x3: {  	s1 =	rddreg [dreg:$0x0];
	s3 =	sor.u32 s0, s3  }
0x4: {  	p0 =	por $0x0, $0x0;
	s2 =	simm.s32 $0x0;
	s4 =	smul.u32 $0x61800, s3  }
0x5: {  	s5 =	sadd.s32 $0x400, s1;
	s0 =	ssub.s32 $0x2, s0;
	s3 =	smul.u32 $0xC300, s3  }
0x6: {  	s1 =	sadd.s32 $0x30D800, s1;
	[smem:$0x7FF] =	sst s2;
	s8 =	sshrl.u32 s0, $0x1  }
0x7: {  	_ =	strace $0x80000047;
	s0 =	ssub.s32 s0, s8;
	s6 =	sadd.s32 s5, s3  }
0x8: {  	s4 =	sshrl.u32 s4, $0x3;
	s3 =	sadd.s32 s1, s3;
	[dreg:$0x2] =	wrdreg s6  }
0x9: {  	s0 =	smax.u32 s0, $0x1;
	s7 =	sadd.s32 $0xF00, s4;
	[dreg:$0x4] =	wrdreg s3  }
0xa: {  	s13 =	sadd.s32 $0x1E00, s4;
	s14 =	sadd.s32 $0x2D00, s4;
	s15 =	sadd.s32 $0x3C00, s4  }
0xb: {  	s16 =	sadd.s32 $0x4B00, s4;
	s17 =	sadd.s32 $0x5A00, s4;
	s18 =	sadd.s32 $0x6900, s4  }
0xc: {  	s8 =	sadd.s32 $0x7800, s4;
	s9 =	sadd.s32 $0x8700, s4;
	s10 =	sadd.s32 $0x9600, s4  }
0xd: {  	s11 =	sadd.s32 $0xA500, s4;
	p1 =	sne.s32 s0, $0x1;
	s6 =	simm.s32 $0x4  }
0xe: {  	s12 =	sadd.s32 s5, s7;
	s30 =	sadd.s32 s5, s13;
	s31 =	sadd.s32 s1, s7  }
0xf: {  	s28 =	sadd.s32 s5, s14;
	s29 =	sadd.s32 s1, s13;
	s25 =	sadd.s32 s5, s15  }
0x10: {  	s26 =	sadd.s32 s1, s14;
	s23 =	sadd.s32 s5, s16;
	s24 =	sadd.s32 s1, s15  }
0x11: {  	s21 =	sadd.s32 s5, s17;
	s22 =	sadd.s32 s1, s16;
	s19 =	sadd.s32 s5, s18  }
0x12: {  	s20 =	sadd.s32 s1, s17;
	s17 =	sadd.s32 s5, s8;
	s18 =	sadd.s32 s1, s18  }
0x13: {  	s15 =	sadd.s32 s5, s9;
	s16 =	sadd.s32 s1, s8;
	s14 =	sadd.s32 $0xB400, s4  }
.Ltmp0:
0x14: {  	s13 =	sadd.s32 s5, s10;
	s8 =	simm.s32 $0x1;
	(pc) =	sbr.rel @!p1 .LBB2_3-.Ltmp0, $4  }
0x15: {  	s7 =	simm.s32 $0x3;
	[dreg:$0x3] =	wrdreg s12;
	s12 =	sadd.s32 s1, s9  }
0x16: {  	s9 =	sadd.s32 s1, s10;
	s10 =	sadd.s32 s5, s11;
	s4 =	sadd.s32 s5, s14  }
0x17: {  	s5 =	sadd.s32 s1, s11;
	s3 =	sadd.s32 s1, s14;
	s1 =	sadd.s32 $0xFFFFFFFF, s0  }
0x18: {  	s11 =	simm.s32 $0x7800;
	s14 =	simm.s32 $0x2;
	s0 =	rddreg [dreg:$0x2]  }
0x19: {  	[tilespmem:s2], [sflag:$0x1] =	stream.linear.gather [hbm4b:s0+s2], $0x7800, $0x38;
	[tilespmem:$0xF000] =	vst v63  }
0x1a: {  	_ =	swait.ge [sflag:s8], $0x7800  }
0x1b: {  	[dreg:$0x5] =	wrdreg s1;
	[sflag:s8] =	ssyncset.done $0x0  }
0x1c: {  	s0 =	rddreg [dreg:$0x3];
	[sflag:s8] =	ssyncadd.s32 $0xFFFF8800  }
0x1d: {  	[tilespmem:s11], [sflag:$0x2] =	stream.linear.gather [hbm4b:s0+s2], $0x7800, $0x38;
	[tilespmem:$0xF000] =	vst v63  }
0x1e: {  	s1 =	rddreg [dreg:$0x4]  }
0x1f: {  	[hbm4b:s1+s2] =	stream.linear.scatter [tilespmem:s2], [sflag:$0x3], $0x7800, $0x38;
	[tilespmem:$0xF000] =	vst v63  }
0x20: {  	_ =	swait.ge [sflag:s14], $0x7800  }
0x21: {  	[sflag:s14] =	ssyncset.done $0x0  }
0x22: {  	[sflag:s14] =	ssyncadd.s32 $0xFFFF8800  }
0x23: {  	_ =	swait.ge [sflag:s7], $0x7800  }
0x24: {  	[sflag:s7] =	ssyncset.done $0x0  }
0x25: {  	[sflag:s7] =	ssyncadd.s32 $0xFFFF8800  }
0x26: {  	[tilespmem:s2], [sflag:$0x1] =	stream.linear.gather [hbm4b:s30+s2], $0x7800, $0x38;
	[tilespmem:$0xF000] =	vst v63  }
0x27: {  	_ = 	snop  }
0x28: {  	[hbm4b:s31+s2] =	stream.linear.scatter [tilespmem:s11], [sflag:$0x4], $0x7800, $0x38;
	[tilespmem:$0xF000] =	vst v63  }
0x29: {  	_ =	swait.ge [sflag:s8], $0x7800  }
0x2a: {  	[sflag:s8] =	ssyncset.done $0x0  }
0x2b: {  	[sflag:s8] =	ssyncadd.s32 $0xFFFF8800  }
0x2c: {  	_ =	swait.ge [sflag:s6], $0x7800  }
0x2d: {  	[sflag:s6] =	ssyncset.done $0x0  }
0x2e: {  	[sflag:s6] =	ssyncadd.s32 $0xFFFF8800  }
0x2f: {  	[tilespmem:s11], [sflag:$0x2] =	stream.linear.gather [hbm4b:s28+s2], $0x7800, $0x38;
	[tilespmem:$0xF000] =	vst v63  }
0x30: {  	_ = 	snop  }
0x31: {  	[hbm4b:s29+s2] =	stream.linear.scatter [tilespmem:s2], [sflag:$0x3], $0x7800, $0x38;
	[tilespmem:$0xF000] =	vst v63  }
0x32: {  	_ =	swait.ge [sflag:s14], $0x7800  }
0x33: {  	[sflag:s14] =	ssyncset.done $0x0  }
0x34: {  	[sflag:s14] =	ssyncadd.s32 $0xFFFF8800  }
0x35: {  	_ =	swait.ge [sflag:s7], $0x7800  }
0x36: {  	[sflag:s7] =	ssyncset.done $0x0  }
0x37: {  	[sflag:s7] =	ssyncadd.s32 $0xFFFF8800  }
0x38: {  	[tilespmem:s2], [sflag:$0x1] =	stream.linear.gather [hbm4b:s25+s2], $0x7800, $0x38;
	[tilespmem:$0xF000] =	vst v63  }
0x39: {  	_ = 	snop  }
0x3a: {  	[hbm4b:s26+s2] =	stream.linear.scatter [tilespmem:s11], [sflag:$0x4], $0x7800, $0x38;
	[tilespmem:$0xF000] =	vst v63  }
0x3b: {  	_ =	swait.ge [sflag:s8], $0x7800  }
0x3c: {  	[sflag:s8] =	ssyncset.done $0x0  }
0x3d: {  	[sflag:s8] =	ssyncadd.s32 $0xFFFF8800  }
0x3e: {  	_ =	swait.ge [sflag:s6], $0x7800  }
0x3f: {  	[sflag:s6] =	ssyncset.done $0x0  }
0x40: {  	[sflag:s6] =	ssyncadd.s32 $0xFFFF8800  }
0x41: {  	[tilespmem:s11], [sflag:$0x2] =	stream.linear.gather [hbm4b:s23+s2], $0x7800, $0x38;
	[tilespmem:$0xF000] =	vst v63  }
0x42: {  	_ = 	snop  }
0x43: {  	[hbm4b:s24+s2] =	stream.linear.scatter [tilespmem:s2], [sflag:$0x3], $0x7800, $0x38;
	[tilespmem:$0xF000] =	vst v63  }
0x44: {  	_ =	swait.ge [sflag:s14], $0x7800  }
0x45: {  	[sflag:s14] =	ssyncset.done $0x0  }
0x46: {  	[sflag:s14] =	ssyncadd.s32 $0xFFFF8800  }
0x47: {  	_ =	swait.ge [sflag:s7], $0x7800  }
0x48: {  	[sflag:s7] =	ssyncset.done $0x0  }
0x49: {  	[sflag:s7] =	ssyncadd.s32 $0xFFFF8800  }
0x4a: {  	[tilespmem:s2], [sflag:$0x1] =	stream.linear.gather [hbm4b:s21+s2], $0x7800, $0x38;
	[tilespmem:$0xF000] =	vst v63  }
0x4b: {  	_ = 	snop  }
0x4c: {  	[hbm4b:s22+s2] =	stream.linear.scatter [tilespmem:s11], [sflag:$0x4], $0x7800, $0x38;
	[tilespmem:$0xF000] =	vst v63  }
0x4d: {  	_ =	swait.ge [sflag:s8], $0x7800  }
0x4e: {  	[sflag:s8] =	ssyncset.done $0x0  }
0x4f: {  	[sflag:s8] =	ssyncadd.s32 $0xFFFF8800  }
0x50: {  	_ =	swait.ge [sflag:s6], $0x7800  }
0x51: {  	[sflag:s6] =	ssyncset.done $0x0  }
0x52: {  	[sflag:s6] =	ssyncadd.s32 $0xFFFF8800  }
0x53: {  	[tilespmem:s11], [sflag:$0x2] =	stream.linear.gather [hbm4b:s19+s2], $0x7800, $0x38;
	[tilespmem:$0xF000] =	vst v63  }
0x54: {  	_ = 	snop  }
0x55: {  	[hbm4b:s20+s2] =	stream.linear.scatter [tilespmem:s2], [sflag:$0x3], $0x7800, $0x38;
	[tilespmem:$0xF000] =	vst v63  }
0x56: {  	_ =	swait.ge [sflag:s14], $0x7800  }
0x57: {  	[sflag:s14] =	ssyncset.done $0x0  }
0x58: {  	[sflag:s14] =	ssyncadd.s32 $0xFFFF8800  }
0x59: {  	_ =	swait.ge [sflag:s7], $0x7800  }
0x5a: {  	[sflag:s7] =	ssyncset.done $0x0  }
0x5b: {  	[sflag:s7] =	ssyncadd.s32 $0xFFFF8800  }
0x5c: {  	[tilespmem:s2], [sflag:$0x1] =	stream.linear.gather [hbm4b:s17+s2], $0x7800, $0x38;
	[tilespmem:$0xF000] =	vst v63  }
0x5d: {  	_ = 	snop  }
0x5e: {  	[hbm4b:s18+s2] =	stream.linear.scatter [tilespmem:s11], [sflag:$0x4], $0x7800, $0x38;
	[tilespmem:$0xF000] =	vst v63  }
0x5f: {  	_ =	swait.ge [sflag:s8], $0x7800  }
0x60: {  	[sflag:s8] =	ssyncset.done $0x0  }
0x61: {  	[sflag:s8] =	ssyncadd.s32 $0xFFFF8800  }
0x62: {  	_ =	swait.ge [sflag:s6], $0x7800  }
0x63: {  	[sflag:s6] =	ssyncset.done $0x0  }
0x64: {  	[sflag:s6] =	ssyncadd.s32 $0xFFFF8800  }
0x65: {  	[tilespmem:s11], [sflag:$0x2] =	stream.linear.gather [hbm4b:s15+s2], $0x7800, $0x38;
	[tilespmem:$0xF000] =	vst v63  }
0x66: {  	_ = 	snop  }
0x67: {  	[hbm4b:s16+s2] =	stream.linear.scatter [tilespmem:s2], [sflag:$0x3], $0x7800, $0x38;
	[tilespmem:$0xF000] =	vst v63  }
0x68: {  	_ =	swait.ge [sflag:s14], $0x7800  }
0x69: {  	[sflag:s14] =	ssyncset.done $0x0  }
0x6a: {  	[sflag:s14] =	ssyncadd.s32 $0xFFFF8800  }
0x6b: {  	_ =	swait.ge [sflag:s7], $0x7800  }
0x6c: {  	[sflag:s7] =	ssyncset.done $0x0  }
0x6d: {  	[sflag:s7] =	ssyncadd.s32 $0xFFFF8800  }
0x6e: {  	[tilespmem:s2], [sflag:$0x1] =	stream.linear.gather [hbm4b:s13+s2], $0x7800, $0x38;
	[tilespmem:$0xF000] =	vst v63  }
0x6f: {  	_ = 	snop  }
0x70: {  	[hbm4b:s12+s2] =	stream.linear.scatter [tilespmem:s11], [sflag:$0x4], $0x7800, $0x38;
	[tilespmem:$0xF000] =	vst v63  }
0x71: {  	_ =	swait.ge [sflag:s8], $0x7800  }
0x72: {  	[sflag:s8] =	ssyncset.done $0x0  }
0x73: {  	[sflag:s8] =	ssyncadd.s32 $0xFFFF8800  }
0x74: {  	_ =	swait.ge [sflag:s6], $0x7800  }
0x75: {  	[sflag:s6] =	ssyncset.done $0x0  }
0x76: {  	[sflag:s6] =	ssyncadd.s32 $0xFFFF8800  }
0x77: {  	[tilespmem:s11], [sflag:$0x2] =	stream.linear.gather [hbm4b:s10+s2], $0x7800, $0x38;
	[tilespmem:$0xF000] =	vst v63  }
0x78: {  	_ = 	snop  }
0x79: {  	[hbm4b:s9+s2] =	stream.linear.scatter [tilespmem:s2], [sflag:$0x3], $0x7800, $0x38;
	[tilespmem:$0xF000] =	vst v63  }
0x7a: {  	_ =	swait.ge [sflag:s14], $0x7800  }
0x7b: {  	[sflag:s14] =	ssyncset.done $0x0  }
0x7c: {  	[sflag:s14] =	ssyncadd.s32 $0xFFFF8800  }
0x7d: {  	_ =	swait.ge [sflag:s7], $0x7800  }
0x7e: {  	[sflag:s7] =	ssyncset.done $0x0  }
0x7f: {  	[sflag:s7] =	ssyncadd.s32 $0xFFFF8800  }
0x80: {  	[tilespmem:s2], [sflag:$0x1] =	stream.linear.gather [hbm4b:s4+s2], $0x7800, $0x38;
	[tilespmem:$0xF000] =	vst v63  }
0x81: {  	_ = 	snop  }
0x82: {  	[hbm4b:s5+s2] =	stream.linear.scatter [tilespmem:s11], [sflag:$0x4], $0x7800, $0x38;
	[tilespmem:$0xF000] =	vst v63  }
0x83: {  	_ =	swait.ge [sflag:s8], $0x7800  }
0x84: {  	[sflag:s8] =	ssyncset.done $0x0  }
0x85: {  	[sflag:s8] =	ssyncadd.s32 $0xFFFF8800  }
0x86: {  	[hbm4b:s3+s2] =	stream.linear.scatter [tilespmem:s2], [sflag:$0x3], $0x7800, $0x38;
	[tilespmem:$0xF000] =	vst v63  }
0x87: {  	_ =	swait.ge [sflag:s7], $0x7800  }
0x88: {  	s1 =	rddreg [dreg:$0x5]  }
0x89: {  	p1 =	sne.s32 s1, $0x1  }
.Ltmp1:
0x8a: {  	_ = 	snop;
	(pc) =	sbr.rel @!p1 .LBB2_3-.Ltmp1, $4  }
0x8b: {  	[sflag:s7] =	ssyncset.done $0x0  }
0x8c: {  	[sflag:s7] =	ssyncadd.s32 $0xFFFF8800  }
0x8d: {  	p0 =	por $0x1, $0x1;
	_ =	swait.ge [sflag:s6], $0x7800  }
0x8e: {  	s1 =	sadd.s32 $0xFFFFFFFF, s1;
	s0 =	rddreg [dreg:$0x2];
	[sflag:s6] =	ssyncset.done $0x0  }
.LBB2_2:
0x8f: {  	[sflag:s6] =	ssyncadd.s32 $0xFFFF8800;
	s6 =	simm.s32 $0x7800;
	s11 =	smov.u32 s31  }
0x90: {  	s31 =	smov.u32 s30;
	s30 =	smov.u32 s29;
	s29 =	smov.u32 s28  }
0x91: {  	s28 =	smov.u32 s26;
	s26 =	smov.u32 s25;
	s25 =	smov.u32 s24  }
0x92: {  	s24 =	smov.u32 s23;
	s23 =	smov.u32 s22;
	s22 =	smov.u32 s21  }
0x93: {  	s21 =	smov.u32 s20;
	s20 =	smov.u32 s19;
	s19 =	smov.u32 s18  }
0x94: {  	s18 =	smov.u32 s17;
	s17 =	smov.u32 s16;
	s16 =	smov.u32 s15  }
0x95: {  	[tilespmem:s2], [sflag:$0x1] =	stream.linear.gather [hbm4b:s0+s2], $0x7800, $0x38;
	[tilespmem:$0xF000] =	vst v63  }
0x96: {  	s15 =	smov.u32 s13;
	s13 =	smov.u32 s12;
	_ =	swait.ge [sflag:s8], $0x7800  }
0x97: {  	s12 =	smov.u32 s10;
	s10 =	smov.u32 s9;
	[sflag:s8] =	ssyncset.done $0x0  }
0x98: {  	s9 =	smov.u32 s5;
	s0 =	rddreg [dreg:$0x3];
	[sflag:s8] =	ssyncadd.s32 $0xFFFF8800  }
0x99: {  	[tilespmem:s6], [sflag:$0x2] =	stream.linear.gather [hbm4b:s0+s2], $0x7800, $0x38;
	[tilespmem:$0xF000] =	vst v63  }
0x9a: {  	s5 =	smov.u32 s4;
	s4 =	smov.u32 s3;
	s3 =	rddreg [dreg:$0x4]  }
0x9b: {  	[hbm4b:s3+s2] =	stream.linear.scatter [tilespmem:s2], [sflag:$0x3], $0x7800, $0x38;
	[tilespmem:$0xF000] =	vst v63  }
0x9c: {  	s3 =	smov.u32 s4  }
0x9d: {  	s4 =	smov.u32 s5;
	s5 =	smov.u32 s9;
	s9 =	smov.u32 s10  }
0x9e: {  	s10 =	smov.u32 s12;
	s12 =	smov.u32 s13;
	s13 =	smov.u32 s15  }
0x9f: {  	s15 =	smov.u32 s16;
	s16 =	smov.u32 s17;
	s17 =	smov.u32 s18  }
0xa0: {  	s18 =	smov.u32 s19;
	s19 =	smov.u32 s20;
	_ =	swait.ge [sflag:s14], $0x7800  }
0xa1: {  	s20 =	smov.u32 s21;
	s21 =	smov.u32 s22;
	[sflag:s14] =	ssyncset.done $0x0  }
0xa2: {  	s22 =	smov.u32 s23;
	s23 =	smov.u32 s24;
	[sflag:s14] =	ssyncadd.s32 $0xFFFF8800  }
0xa3: {  	s24 =	smov.u32 s25;
	s25 =	smov.u32 s26;
	_ =	swait.ge [sflag:s7], $0x7800  }
0xa4: {  	s26 =	smov.u32 s28;
	s28 =	smov.u32 s29;
	[sflag:s7] =	ssyncset.done $0x0  }
0xa5: {  	s29 =	smov.u32 s30;
	s30 =	smov.u32 s31;
	[sflag:s7] =	ssyncadd.s32 $0xFFFF8800  }
0xa6: {  	[tilespmem:s2], [sflag:$0x1] =	stream.linear.gather [hbm4b:s30+s2], $0x7800, $0x38;
	[tilespmem:$0xF000] =	vst v63  }
0xa7: {  	s31 =	smov.u32 s11;
	s11 =	simm.s32 $0x7800  }
0xa8: {  	[hbm4b:s31+s2] =	stream.linear.scatter [tilespmem:s11], [sflag:$0x4], $0x7800, $0x38;
	[tilespmem:$0xF000] =	vst v63  }
0xa9: {  	_ =	swait.ge [sflag:s8], $0x7800  }
0xaa: {  	[sflag:s8] =	ssyncset.done $0x0  }
0xab: {  	s6 =	simm.s32 $0x4;
	[sflag:s8] =	ssyncadd.s32 $0xFFFF8800  }
0xac: {  	_ =	swait.ge [sflag:s6], $0x7800  }
0xad: {  	[sflag:s6] =	ssyncset.done $0x0  }
0xae: {  	[sflag:s6] =	ssyncadd.s32 $0xFFFF8800  }
0xaf: {  	[tilespmem:s11], [sflag:$0x2] =	stream.linear.gather [hbm4b:s28+s2], $0x7800, $0x38;
	[tilespmem:$0xF000] =	vst v63  }
0xb0: {  	_ = 	snop  }
0xb1: {  	[hbm4b:s29+s2] =	stream.linear.scatter [tilespmem:s2], [sflag:$0x3], $0x7800, $0x38;
	[tilespmem:$0xF000] =	vst v63  }
0xb2: {  	_ =	swait.ge [sflag:s14], $0x7800  }
0xb3: {  	[sflag:s14] =	ssyncset.done $0x0  }
0xb4: {  	[sflag:s14] =	ssyncadd.s32 $0xFFFF8800  }
0xb5: {  	_ =	swait.ge [sflag:s7], $0x7800  }
0xb6: {  	[sflag:s7] =	ssyncset.done $0x0  }
0xb7: {  	[sflag:s7] =	ssyncadd.s32 $0xFFFF8800  }
0xb8: {  	[tilespmem:s2], [sflag:$0x1] =	stream.linear.gather [hbm4b:s25+s2], $0x7800, $0x38;
	[tilespmem:$0xF000] =	vst v63  }
0xb9: {  	_ = 	snop  }
0xba: {  	[hbm4b:s26+s2] =	stream.linear.scatter [tilespmem:s11], [sflag:$0x4], $0x7800, $0x38;
	[tilespmem:$0xF000] =	vst v63  }
0xbb: {  	_ =	swait.ge [sflag:s8], $0x7800  }
0xbc: {  	[sflag:s8] =	ssyncset.done $0x0  }
0xbd: {  	[sflag:s8] =	ssyncadd.s32 $0xFFFF8800  }
0xbe: {  	_ =	swait.ge [sflag:s6], $0x7800  }
0xbf: {  	[sflag:s6] =	ssyncset.done $0x0  }
0xc0: {  	[sflag:s6] =	ssyncadd.s32 $0xFFFF8800  }
0xc1: {  	[tilespmem:s11], [sflag:$0x2] =	stream.linear.gather [hbm4b:s23+s2], $0x7800, $0x38;
	[tilespmem:$0xF000] =	vst v63  }
0xc2: {  	_ = 	snop  }
0xc3: {  	[hbm4b:s24+s2] =	stream.linear.scatter [tilespmem:s2], [sflag:$0x3], $0x7800, $0x38;
	[tilespmem:$0xF000] =	vst v63  }
0xc4: {  	_ =	swait.ge [sflag:s14], $0x7800  }
0xc5: {  	[sflag:s14] =	ssyncset.done $0x0  }
0xc6: {  	[sflag:s14] =	ssyncadd.s32 $0xFFFF8800  }
0xc7: {  	_ =	swait.ge [sflag:s7], $0x7800  }
0xc8: {  	[sflag:s7] =	ssyncset.done $0x0  }
0xc9: {  	[sflag:s7] =	ssyncadd.s32 $0xFFFF8800  }
0xca: {  	[tilespmem:s2], [sflag:$0x1] =	stream.linear.gather [hbm4b:s21+s2], $0x7800, $0x38;
	[tilespmem:$0xF000] =	vst v63  }
0xcb: {  	_ = 	snop  }
0xcc: {  	[hbm4b:s22+s2] =	stream.linear.scatter [tilespmem:s11], [sflag:$0x4], $0x7800, $0x38;
	[tilespmem:$0xF000] =	vst v63  }
0xcd: {  	_ =	swait.ge [sflag:s8], $0x7800  }
0xce: {  	[sflag:s8] =	ssyncset.done $0x0  }
0xcf: {  	[sflag:s8] =	ssyncadd.s32 $0xFFFF8800  }
0xd0: {  	_ =	swait.ge [sflag:s6], $0x7800  }
0xd1: {  	[sflag:s6] =	ssyncset.done $0x0  }
0xd2: {  	[sflag:s6] =	ssyncadd.s32 $0xFFFF8800  }
0xd3: {  	[tilespmem:s11], [sflag:$0x2] =	stream.linear.gather [hbm4b:s19+s2], $0x7800, $0x38;
	[tilespmem:$0xF000] =	vst v63  }
0xd4: {  	_ = 	snop  }
0xd5: {  	[hbm4b:s20+s2] =	stream.linear.scatter [tilespmem:s2], [sflag:$0x3], $0x7800, $0x38;
	[tilespmem:$0xF000] =	vst v63  }
0xd6: {  	_ =	swait.ge [sflag:s14], $0x7800  }
0xd7: {  	[sflag:s14] =	ssyncset.done $0x0  }
0xd8: {  	[sflag:s14] =	ssyncadd.s32 $0xFFFF8800  }
0xd9: {  	_ =	swait.ge [sflag:s7], $0x7800  }
0xda: {  	[sflag:s7] =	ssyncset.done $0x0  }
0xdb: {  	[sflag:s7] =	ssyncadd.s32 $0xFFFF8800  }
0xdc: {  	[tilespmem:s2], [sflag:$0x1] =	stream.linear.gather [hbm4b:s17+s2], $0x7800, $0x38;
	[tilespmem:$0xF000] =	vst v63  }
0xdd: {  	_ = 	snop  }
0xde: {  	[hbm4b:s18+s2] =	stream.linear.scatter [tilespmem:s11], [sflag:$0x4], $0x7800, $0x38;
	[tilespmem:$0xF000] =	vst v63  }
0xdf: {  	_ =	swait.ge [sflag:s8], $0x7800  }
0xe0: {  	[sflag:s8] =	ssyncset.done $0x0  }
0xe1: {  	[sflag:s8] =	ssyncadd.s32 $0xFFFF8800  }
0xe2: {  	_ =	swait.ge [sflag:s6], $0x7800  }
0xe3: {  	[sflag:s6] =	ssyncset.done $0x0  }
0xe4: {  	[sflag:s6] =	ssyncadd.s32 $0xFFFF8800  }
0xe5: {  	[tilespmem:s11], [sflag:$0x2] =	stream.linear.gather [hbm4b:s15+s2], $0x7800, $0x38;
	[tilespmem:$0xF000] =	vst v63  }
0xe6: {  	_ = 	snop  }
0xe7: {  	[hbm4b:s16+s2] =	stream.linear.scatter [tilespmem:s2], [sflag:$0x3], $0x7800, $0x38;
	[tilespmem:$0xF000] =	vst v63  }
0xe8: {  	_ =	swait.ge [sflag:s14], $0x7800  }
0xe9: {  	[sflag:s14] =	ssyncset.done $0x0  }
0xea: {  	[sflag:s14] =	ssyncadd.s32 $0xFFFF8800  }
0xeb: {  	_ =	swait.ge [sflag:s7], $0x7800  }
0xec: {  	[sflag:s7] =	ssyncset.done $0x0  }
0xed: {  	[sflag:s7] =	ssyncadd.s32 $0xFFFF8800  }
0xee: {  	[tilespmem:s2], [sflag:$0x1] =	stream.linear.gather [hbm4b:s13+s2], $0x7800, $0x38;
	[tilespmem:$0xF000] =	vst v63  }
0xef: {  	_ = 	snop  }
0xf0: {  	[hbm4b:s12+s2] =	stream.linear.scatter [tilespmem:s11], [sflag:$0x4], $0x7800, $0x38;
	[tilespmem:$0xF000] =	vst v63  }
0xf1: {  	_ =	swait.ge [sflag:s8], $0x7800  }
0xf2: {  	[sflag:s8] =	ssyncset.done $0x0  }
0xf3: {  	[sflag:s8] =	ssyncadd.s32 $0xFFFF8800  }
0xf4: {  	_ =	swait.ge [sflag:s6], $0x7800  }
0xf5: {  	[sflag:s6] =	ssyncset.done $0x0  }
0xf6: {  	[sflag:s6] =	ssyncadd.s32 $0xFFFF8800  }
0xf7: {  	[tilespmem:s11], [sflag:$0x2] =	stream.linear.gather [hbm4b:s10+s2], $0x7800, $0x38;
	[tilespmem:$0xF000] =	vst v63  }
0xf8: {  	_ = 	snop  }
0xf9: {  	[hbm4b:s9+s2] =	stream.linear.scatter [tilespmem:s2], [sflag:$0x3], $0x7800, $0x38;
	[tilespmem:$0xF000] =	vst v63  }
0xfa: {  	_ =	swait.ge [sflag:s14], $0x7800  }
0xfb: {  	[sflag:s14] =	ssyncset.done $0x0  }
0xfc: {  	[sflag:s14] =	ssyncadd.s32 $0xFFFF8800  }
0xfd: {  	_ =	swait.ge [sflag:s7], $0x7800  }
0xfe: {  	[sflag:s7] =	ssyncset.done $0x0  }
0xff: {  	[sflag:s7] =	ssyncadd.s32 $0xFFFF8800  }
0x100: {  	[tilespmem:s2], [sflag:$0x1] =	stream.linear.gather [hbm4b:s4+s2], $0x7800, $0x38;
	[tilespmem:$0xF000] =	vst v63  }
0x101: {  	_ = 	snop  }
0x102: {  	[hbm4b:s5+s2] =	stream.linear.scatter [tilespmem:s11], [sflag:$0x4], $0x7800, $0x38;
	[tilespmem:$0xF000] =	vst v63  }
0x103: {  	_ =	swait.ge [sflag:s8], $0x7800  }
0x104: {  	[sflag:s8] =	ssyncset.done $0x0  }
0x105: {  	p1 =	sne.s32 s1, $0x1;
	[sflag:s8] =	ssyncadd.s32 $0xFFFF8800  }
0x106: {  	[hbm4b:s3+s2] =	stream.linear.scatter [tilespmem:s2], [sflag:$0x3], $0x7800, $0x38;
	[tilespmem:$0xF000] =	vst v63  }
.Ltmp2:
0x107: {  	_ =	swait.ge [sflag:s7], $0x7800;
	(pc) =	sbr.rel @p1 .LBB2_2-.Ltmp2, $4  }
0x108: {  	[sflag:s7] =	ssyncset.done $0x0  }
0x109: {  	[sflag:s7] =	ssyncadd.s32 $0xFFFF8800  }
0x10a: {  	_ =	swait.ge [sflag:s6], $0x7800  }
0x10b: {  	s1 =	sadd.s32 $0xFFFFFFFF, s1;
	s0 =	rddreg [dreg:$0x2];
	[sflag:s6] =	ssyncset.done $0x0  }
.LBB2_3:
0x10c: {  	[sflag:s6] =	ssyncadd.s32 @p0 $0xFFFF8800  }
0x10d: {  	[tilespmem:s2], [sflag:$0x1] =	stream.linear.gather [hbm4b:s0+s2], $0x7800, $0x38;
	[tilespmem:$0xF000] =	vst v63  }
0x10e: {  	_ =	swait.ge [sflag:s8], $0x7800  }
0x10f: {  	[sflag:s8] =	ssyncset.done $0x0  }
0x110: {  	s0 =	rddreg [dreg:$0x3];
	[sflag:s8] =	ssyncadd.s32 $0xFFFF8800  }
0x111: {  	[tilespmem:s11], [sflag:$0x2] =	stream.linear.gather [hbm4b:s0+s2], $0x7800, $0x38;
	[tilespmem:$0xF000] =	vst v63  }
0x112: {  	s1 =	rddreg [dreg:$0x4]  }
0x113: {  	[hbm4b:s1+s2] =	stream.linear.scatter [tilespmem:s2], [sflag:$0x3], $0x7800, $0x38;
	[tilespmem:$0xF000] =	vst v63  }
0x114: {  	_ =	swait.ge [sflag:s14], $0x7800  }
0x115: {  	[sflag:s14] =	ssyncset.done $0x0  }
0x116: {  	[sflag:s14] =	ssyncadd.s32 $0xFFFF8800  }
0x117: {  	_ =	swait.ge [sflag:s7], $0x7800  }
0x118: {  	[sflag:s7] =	ssyncset.done $0x0  }
0x119: {  	[sflag:s7] =	ssyncadd.s32 $0xFFFF8800  }
0x11a: {  	[tilespmem:s2], [sflag:$0x1] =	stream.linear.gather [hbm4b:s30+s2], $0x7800, $0x38;
	[tilespmem:$0xF000] =	vst v63  }
0x11b: {  	_ = 	snop  }
0x11c: {  	[hbm4b:s31+s2] =	stream.linear.scatter [tilespmem:s11], [sflag:$0x4], $0x7800, $0x38;
	[tilespmem:$0xF000] =	vst v63  }
0x11d: {  	_ =	swait.ge [sflag:s8], $0x7800  }
0x11e: {  	[sflag:s8] =	ssyncset.done $0x0  }
0x11f: {  	[sflag:s8] =	ssyncadd.s32 $0xFFFF8800  }
0x120: {  	_ =	swait.ge [sflag:s6], $0x7800  }
0x121: {  	[sflag:s6] =	ssyncset.done $0x0  }
0x122: {  	[sflag:s6] =	ssyncadd.s32 $0xFFFF8800  }
0x123: {  	[tilespmem:s11], [sflag:$0x2] =	stream.linear.gather [hbm4b:s28+s2], $0x7800, $0x38;
	[tilespmem:$0xF000] =	vst v63  }
0x124: {  	_ = 	snop  }
0x125: {  	[hbm4b:s29+s2] =	stream.linear.scatter [tilespmem:s2], [sflag:$0x3], $0x7800, $0x38;
	[tilespmem:$0xF000] =	vst v63  }
0x126: {  	_ =	swait.ge [sflag:s14], $0x7800  }
0x127: {  	[sflag:s14] =	ssyncset.done $0x0  }
0x128: {  	[sflag:s14] =	ssyncadd.s32 $0xFFFF8800  }
0x129: {  	_ =	swait.ge [sflag:s7], $0x7800  }
0x12a: {  	[sflag:s7] =	ssyncset.done $0x0  }
0x12b: {  	[sflag:s7] =	ssyncadd.s32 $0xFFFF8800  }
0x12c: {  	[tilespmem:s2], [sflag:$0x1] =	stream.linear.gather [hbm4b:s25+s2], $0x7800, $0x38;
	[tilespmem:$0xF000] =	vst v63  }
0x12d: {  	_ = 	snop  }
0x12e: {  	[hbm4b:s26+s2] =	stream.linear.scatter [tilespmem:s11], [sflag:$0x4], $0x7800, $0x38;
	[tilespmem:$0xF000] =	vst v63  }
0x12f: {  	_ =	swait.ge [sflag:s8], $0x7800  }
0x130: {  	[sflag:s8] =	ssyncset.done $0x0  }
0x131: {  	[sflag:s8] =	ssyncadd.s32 $0xFFFF8800  }
0x132: {  	_ =	swait.ge [sflag:s6], $0x7800  }
0x133: {  	[sflag:s6] =	ssyncset.done $0x0  }
0x134: {  	[sflag:s6] =	ssyncadd.s32 $0xFFFF8800  }
0x135: {  	[tilespmem:s11], [sflag:$0x2] =	stream.linear.gather [hbm4b:s23+s2], $0x7800, $0x38;
	[tilespmem:$0xF000] =	vst v63  }
0x136: {  	_ = 	snop  }
0x137: {  	[hbm4b:s24+s2] =	stream.linear.scatter [tilespmem:s2], [sflag:$0x3], $0x7800, $0x38;
	[tilespmem:$0xF000] =	vst v63  }
0x138: {  	_ =	swait.ge [sflag:s14], $0x7800  }
0x139: {  	[sflag:s14] =	ssyncset.done $0x0  }
0x13a: {  	[sflag:s14] =	ssyncadd.s32 $0xFFFF8800  }
0x13b: {  	_ =	swait.ge [sflag:s7], $0x7800  }
0x13c: {  	[sflag:s7] =	ssyncset.done $0x0  }
0x13d: {  	[sflag:s7] =	ssyncadd.s32 $0xFFFF8800  }
0x13e: {  	[tilespmem:s2], [sflag:$0x1] =	stream.linear.gather [hbm4b:s21+s2], $0x7800, $0x38;
	[tilespmem:$0xF000] =	vst v63  }
0x13f: {  	_ = 	snop  }
0x140: {  	[hbm4b:s22+s2] =	stream.linear.scatter [tilespmem:s11], [sflag:$0x4], $0x7800, $0x38;
	[tilespmem:$0xF000] =	vst v63  }
0x141: {  	_ =	swait.ge [sflag:s8], $0x7800  }
0x142: {  	[sflag:s8] =	ssyncset.done $0x0  }
0x143: {  	[sflag:s8] =	ssyncadd.s32 $0xFFFF8800  }
0x144: {  	_ =	swait.ge [sflag:s6], $0x7800  }
0x145: {  	[sflag:s6] =	ssyncset.done $0x0  }
0x146: {  	[sflag:s6] =	ssyncadd.s32 $0xFFFF8800  }
0x147: {  	[tilespmem:s11], [sflag:$0x2] =	stream.linear.gather [hbm4b:s19+s2], $0x7800, $0x38;
	[tilespmem:$0xF000] =	vst v63  }
0x148: {  	_ = 	snop  }
0x149: {  	[hbm4b:s20+s2] =	stream.linear.scatter [tilespmem:s2], [sflag:$0x3], $0x7800, $0x38;
	[tilespmem:$0xF000] =	vst v63  }
0x14a: {  	_ =	swait.ge [sflag:s14], $0x7800  }
0x14b: {  	[sflag:s14] =	ssyncset.done $0x0  }
0x14c: {  	[sflag:s14] =	ssyncadd.s32 $0xFFFF8800  }
0x14d: {  	_ =	swait.ge [sflag:s7], $0x7800  }
0x14e: {  	[sflag:s7] =	ssyncset.done $0x0  }
0x14f: {  	[sflag:s7] =	ssyncadd.s32 $0xFFFF8800  }
0x150: {  	[tilespmem:s2], [sflag:$0x1] =	stream.linear.gather [hbm4b:s17+s2], $0x7800, $0x38;
	[tilespmem:$0xF000] =	vst v63  }
0x151: {  	_ = 	snop  }
0x152: {  	[hbm4b:s18+s2] =	stream.linear.scatter [tilespmem:s11], [sflag:$0x4], $0x7800, $0x38;
	[tilespmem:$0xF000] =	vst v63  }
0x153: {  	_ =	swait.ge [sflag:s8], $0x7800  }
0x154: {  	[sflag:s8] =	ssyncset.done $0x0  }
0x155: {  	[sflag:s8] =	ssyncadd.s32 $0xFFFF8800  }
0x156: {  	_ =	swait.ge [sflag:s6], $0x7800  }
0x157: {  	[sflag:s6] =	ssyncset.done $0x0  }
0x158: {  	[sflag:s6] =	ssyncadd.s32 $0xFFFF8800  }
0x159: {  	[tilespmem:s11], [sflag:$0x2] =	stream.linear.gather [hbm4b:s15+s2], $0x7800, $0x38;
	[tilespmem:$0xF000] =	vst v63  }
0x15a: {  	_ = 	snop  }
0x15b: {  	[hbm4b:s16+s2] =	stream.linear.scatter [tilespmem:s2], [sflag:$0x3], $0x7800, $0x38;
	[tilespmem:$0xF000] =	vst v63  }
0x15c: {  	_ =	swait.ge [sflag:s14], $0x7800  }
0x15d: {  	[sflag:s14] =	ssyncset.done $0x0  }
0x15e: {  	[sflag:s14] =	ssyncadd.s32 $0xFFFF8800  }
0x15f: {  	_ =	swait.ge [sflag:s7], $0x7800  }
0x160: {  	[sflag:s7] =	ssyncset.done $0x0  }
0x161: {  	[sflag:s7] =	ssyncadd.s32 $0xFFFF8800  }
0x162: {  	[tilespmem:s2], [sflag:$0x1] =	stream.linear.gather [hbm4b:s13+s2], $0x7800, $0x38;
	[tilespmem:$0xF000] =	vst v63  }
0x163: {  	_ = 	snop  }
0x164: {  	[hbm4b:s12+s2] =	stream.linear.scatter [tilespmem:s11], [sflag:$0x4], $0x7800, $0x38;
	[tilespmem:$0xF000] =	vst v63  }
0x165: {  	_ =	swait.ge [sflag:s8], $0x7800  }
0x166: {  	[sflag:s8] =	ssyncset.done $0x0  }
0x167: {  	[sflag:s8] =	ssyncadd.s32 $0xFFFF8800  }
0x168: {  	_ =	swait.ge [sflag:s6], $0x7800  }
0x169: {  	[sflag:s6] =	ssyncset.done $0x0  }
0x16a: {  	[sflag:s6] =	ssyncadd.s32 $0xFFFF8800  }
0x16b: {  	[tilespmem:s11], [sflag:$0x2] =	stream.linear.gather [hbm4b:s10+s2], $0x7800, $0x38;
	[tilespmem:$0xF000] =	vst v63  }
0x16c: {  	_ = 	snop  }
0x16d: {  	[hbm4b:s9+s2] =	stream.linear.scatter [tilespmem:s2], [sflag:$0x3], $0x7800, $0x38;
	[tilespmem:$0xF000] =	vst v63  }
0x16e: {  	_ =	swait.ge [sflag:s14], $0x7800  }
0x16f: {  	[sflag:s14] =	ssyncset.done $0x0  }
0x170: {  	[sflag:s14] =	ssyncadd.s32 $0xFFFF8800  }
0x171: {  	_ =	swait.ge [sflag:s7], $0x7800  }
0x172: {  	[sflag:s7] =	ssyncset.done $0x0  }
0x173: {  	[sflag:s7] =	ssyncadd.s32 $0xFFFF8800  }
0x174: {  	[tilespmem:s2], [sflag:$0x1] =	stream.linear.gather [hbm4b:s4+s2], $0x7800, $0x38;
	[tilespmem:$0xF000] =	vst v63  }
0x175: {  	_ = 	snop  }
0x176: {  	[hbm4b:s5+s2] =	stream.linear.scatter [tilespmem:s11], [sflag:$0x4], $0x7800, $0x38;
	[tilespmem:$0xF000] =	vst v63  }
0x177: {  	_ =	swait.ge [sflag:s8], $0x7800  }
0x178: {  	[sflag:s8] =	ssyncset.done $0x0  }
0x179: {  	[sflag:s8] =	ssyncadd.s32 $0xFFFF8800  }
0x17a: {  	[hbm4b:s3+s2] =	stream.linear.scatter [tilespmem:s2], [sflag:$0x3], $0x7800, $0x38;
	[tilespmem:$0xF000] =	vst v63  }
0x17b: {  	_ =	swait.ge [sflag:s7], $0x7800  }
0x17c: {  	[sflag:s7] =	ssyncset.done $0x0  }
0x17d: {  	[sflag:s7] =	ssyncadd.s32 $0xFFFF8800  }
0x17e: {  	_ =	swait.ge [sflag:s6], $0x7800  }
0x17f: {  	[sflag:s6] =	ssyncset.done $0x0  }
0x180: {  	[sflag:s6] =	ssyncadd.s32 $0xFFFF8800  }
0x181: {  	_ =	sfence.sel $0x180000  }
0x182: {  	[bflag:$0x0] =	sbarrier.arrive $0xFFFF  }
0x183: {  	_ =	strace $0x90000047  }
0x184: {  	s31 =	stileid.u32;
	[bflag:$0x2] =	sbarrier.arrive $0xFFFF  }
0x185: {  	p0 =	sne.s32 s31, $0x0;
	s0 =	rddreg [dreg:$0x1]  }
0x186: {  	s0 =	sadd.s32 @!p0 $0x100000, s0  }
0x187: {  	[sflag:s0] =	ssyncadd.tile.s32 @!p0 $0x1;
	_ =	shalt  }
.Lfunc_end2:
_tile_overlayer_lowered:
.L_overlay_start_2:
0x188: {  	(tag) =	ssettag $0x2  }
0x189: {  	s0 =	rddreg [dreg:$0x0];
	s2 =	stileid.u32  }
0x18a: {  	s1 =	rddreg [dreg:$0x1];
	p0 =	sne.s32 s2, $0x0  }
0x18b: {  	s3 =	rddreg [dreg:$0x2];
	[bflag:$0x3] =	sbarrier.arrive $0xFFFF;
	s2 =	simm.s32 @!p0 $0x1C05  }
0x18c: {  	[timem:s3], [sflag:s2] =	dma.local @!p0 [hbm:s0], s1  }
0x18d: {  	s0 =	simm.s32 @!p0 $0x5  }
0x18e: {  	_ =	swait.ge @!p0 [sflag:s0], s1  }
0x18f: {  	s1 =	ssub.s32 @!p0 $0x0, s1;
	[sflag:s0] =	ssyncset.done @!p0 $0x0  }
0x190: {  	[sflag:s0] =	ssyncadd.s32 @!p0 s1  }
0x191: {  	[bflag:$0x3] =	sbarrier.arrive $0xFFFF  }
0x192: {  	_ =	shalt  }

</sc_bundles>
